<compile_context>
chip_gen: v7x
topology: tpu7x:2x2x1
jax: 0.10.2.dev20260603
libtpu: 0.0.44.dev20260713+nightly
codegen_flags: <defaults>
</compile_context>

<pallas_src>
import functools

import jax
import jax.numpy as jnp
import numpy as np
from jax import lax
from jax.experimental import pallas as pl
from jax.experimental.pallas import tpu as pltpu
from jax.experimental.pallas import tpu_sc as plsc

L = 2048
C = 1024
H = 8
D = C // H
K = 64
HALF_S = 16
S = 2 * HALF_S + 1
MAX_FREQ = 16.0
MIN_FREQ = 1.0
MAX_RECEPTIVE = HALF_S * MAX_FREQ

TM = 256
TM3 = 512
SP = 40
ITEMS = L * H
NW = 32
TPW = L // 4
TB = 128
NBLK = TPW // TB
WIN = 656
WS_OFF = 264


def _silu(v):
    return v * jax.nn.sigmoid(v)



def _prep_body(x_ref, ww_ref, wb_ref, kw_ref, kb_ref,
               r0_ref, w0_ref, w1_ref):
    t0 = pl.program_id(0) * TM
    xt = x_ref[...]
    wave = lax.dot_general(xt, ww_ref[...], (((1,), (1,)), ((), ())),
                           preferred_element_type=jnp.float32) + wb_ref[...]
    wave = _silu(wave)
    freq = jax.nn.sigmoid(wave[:, 0:H]) * (MAX_FREQ - MIN_FREQ) + MIN_FREQ
    phase = jnp.tanh(wave[:, H:2 * H]) * MAX_FREQ
    kern = lax.dot_general(xt, kw_ref[...], (((1,), (1,)), ((), ())),
                           preferred_element_type=jnp.float32) + kb_ref[...]
    ktap_all = _silu(kern)

    sv = lax.broadcasted_iota(jnp.int32, (TM, S), 1).astype(jnp.float32) \
        - float(HALF_S)
    ti = lax.broadcasted_iota(jnp.int32, (TM, S), 0) + t0
    tif = ti.astype(jnp.float32)
    ws = jnp.clip((ti // TB) * TB - WS_OFF, 0, L - WIN)
    zi = jnp.zeros((TM, SP - S), jnp.int32)
    zf = jnp.zeros((TM, SP - S), jnp.float32)
    for hh in range(H):
        oh = (lax.broadcasted_iota(jnp.int32, (H, S), 0) == hh
              ).astype(jnp.float32)
        freq_s = lax.dot_general(freq, oh, (((1,), (0,)), ((), ())),
                                 precision=lax.Precision.HIGHEST,
                                 preferred_element_type=jnp.float32)
        phase_s = lax.dot_general(phase, oh, (((1,), (0,)), ((), ())),
                                  precision=lax.Precision.HIGHEST,
                                  preferred_element_type=jnp.float32)
        ktap = ktap_all[:, hh * S:(hh + 1) * S]
        off = jnp.clip(sv * freq_s + phase_s, -MAX_RECEPTIVE, MAX_RECEPTIVE)
        p = jnp.clip(tif + off, 0.0, float(L - 1))
        i0f = jnp.floor(p)
        frac = p - i0f
        i0 = i0f.astype(jnp.int32)
        r0_ref[hh] = jnp.concatenate([i0 - ws, zi], axis=1)
        w0_ref[hh] = jnp.concatenate([ktap * (1.0 - frac), zf], axis=1)
        w1_ref[hh] = jnp.concatenate([ktap * frac, zf], axis=1)


def _prep(xt, ww, wb, kw, kb):
    return pl.pallas_call(
        _prep_body,
        grid=(L // TM,),
        in_specs=[
            pl.BlockSpec((TM, C), lambda i: (i, 0)),
            pl.BlockSpec((2 * H, C), lambda i: (0, 0)),
            pl.BlockSpec((1, 2 * H), lambda i: (0, 0)),
            pl.BlockSpec((H * S, C), lambda i: (0, 0)),
            pl.BlockSpec((1, H * S), lambda i: (0, 0)),
        ],
        out_specs=[
            pl.BlockSpec((H, TM, SP), lambda i: (0, i, 0)),
            pl.BlockSpec((H, TM, SP), lambda i: (0, i, 0)),
            pl.BlockSpec((H, TM, SP), lambda i: (0, i, 0)),
        ],
        out_shape=[
            jax.ShapeDtypeStruct((H, L, SP), jnp.int32),
            jax.ShapeDtypeStruct((H, L, SP), jnp.float32),
            jax.ShapeDtypeStruct((H, L, SP), jnp.float32),
        ],
    )(xt, ww, wb, kw, kb)



_sc_mesh = plsc.VectorSubcoreMesh(core_axis_name="c", subcore_axis_name="s")


@functools.partial(
    pl.kernel,
    out_type=jax.ShapeDtypeStruct((ITEMS, D), jnp.float32),
    mesh=_sc_mesh,
    scratch_types=[
        pltpu.VMEM((WIN, D), jnp.float32),
        pltpu.VMEM((TB * SP + 16,), jnp.int32),
        pltpu.VMEM((TB * SP + 16,), jnp.float32),
        pltpu.VMEM((TB * SP + 16,), jnp.float32),
        pltpu.VMEM((TB, D), jnp.float32),
        pltpu.SemaphoreType.DMA,
    ],
)
def _sc_gather(table, r0s, w0s, w1s, out, win_v, r_v, w0_v, w1_v, out_v, sem):
    wid = lax.axis_index("s") * 2 + lax.axis_index("c")
    h = wid // 4
    tw = (wid % 4) * TPW

    def blk(b, carry):
        tb = tw + b * TB
        ws = jnp.clip(tb - WS_OFF, 0, L - WIN)
        base = pl.multiple_of((h * L + tb) * SP, 8)
        cps = [
            pltpu.async_copy(
                table.at[pl.ds(pl.multiple_of(ws, 8), WIN),
                         pl.ds(pl.multiple_of(h * D, 128), D)],
                win_v, sem),
            pltpu.async_copy(r0s.at[pl.ds(base, TB * SP)],
                             r_v.at[pl.ds(0, TB * SP)], sem),
            pltpu.async_copy(w0s.at[pl.ds(base, TB * SP)],
                             w0_v.at[pl.ds(0, TB * SP)], sem),
            pltpu.async_copy(w1s.at[pl.ds(base, TB * SP)],
                             w1_v.at[pl.ds(0, TB * SP)], sem),
        ]
        for cp in cps:
            cp.wait()

        def tok(tl, carry2):
            toff = tl * SP

            def sbody(s, acc):
                r0 = r_v[pl.ds(toff + s, 16)][0]
                w0 = w0_v[pl.ds(toff + s, 16)][0]
                w1 = w1_v[pl.ds(toff + s, 16)][0]
                return tuple(
                    acc[q]
                    + w0 * win_v[r0, pl.ds(q * 16, 16)]
                    + w1 * win_v[r0 + 1, pl.ds(q * 16, 16)]
                    for q in range(8))

            acc = lax.fori_loop(
                0, S, sbody,
                tuple(jnp.zeros((16,), jnp.float32) for _ in range(8)))
            for q in range(8):
                out_v[tl, pl.ds(q * 16, 16)] = acc[q]
            return carry2

        lax.fori_loop(0, TB, tok, 0)
        pltpu.sync_copy(out_v, out.at[pl.ds(pl.multiple_of(h * L + tb, 8), TB)])
        return carry

    lax.fori_loop(0, NBLK, blk, 0)



def _out_body(h_ref, w_ref, o_ref):
    acc = lax.dot_general(h_ref[0], w_ref[:, 0:D],
                          (((1,), (1,)), ((), ())),
                          preferred_element_type=jnp.float32)
    for hh in range(1, H):
        acc += lax.dot_general(h_ref[hh], w_ref[:, hh * D:(hh + 1) * D],
                               (((1,), (1,)), ((), ())),
                               preferred_element_type=jnp.float32)
    o_ref[...] = _silu(acc)


def _outproj(hid3, ow):
    return pl.pallas_call(
        _out_body,
        grid=(L // TM3,),
        in_specs=[
            pl.BlockSpec((H, TM3, D), lambda i: (0, i, 0)),
            pl.BlockSpec((C, C), lambda i: (0, 0)),
        ],
        out_specs=pl.BlockSpec((TM3, C), lambda i: (i, 0)),
        out_shape=jax.ShapeDtypeStruct((L, C), jnp.float32),
    )(hid3, ow)



def kernel(x, wave_w, wave_b, kernel_w, kernel_b, out_w):
    xt = x[0]
    kw = kernel_w.reshape(H, K, C)[:, :S].reshape(H * S, C)
    kb = kernel_b.reshape(H, K)[:, :S].reshape(1, H * S)
    wb = wave_b.reshape(1, 2 * H)

    r0p, w0p, w1p = _prep(xt, wave_w, wb, kw, kb)

    hid = _sc_gather(xt,
                     r0p.reshape(H * L * SP),
                     w0p.reshape(H * L * SP),
                     w1p.reshape(H * L * SP))
    out = _outproj(hid.reshape(H, L, D), out_w)
    return out[None]

# --- scband reference (transcript-rebuilt; emitter-appended) ---
"""Pipeline reference for scband-triton-gather-conv-27711128994525 (READ-ONLY COPY).

The authoritative reference and input builder live on the scoring server;
editing this copy changes nothing except your own understanding.
"""

import jax, jax.numpy as jnp
import numpy as np

B, L, C = 1, 2048, 1024
H = 8
D = C // H
K = 64
MAX_SAMPLES = 32
HALF_S = MAX_SAMPLES // 2
S = 2 * HALF_S + 1
MAX_FREQ = 16.0
MIN_FREQ = 1.0
CHUNK = 1024
MAX_RECEPTIVE = HALF_S * MAX_FREQ


def setup_inputs(seed: int = 0) -> dict:
    key = jax.random.key(seed)
    ks = jax.random.split(key, 6)
    x = jax.random.normal(ks[0], (B, L, C), dtype=jnp.float32)
    # learned params (wave_proj is zero-init in torch; use small random so freq/phase vary)
    wave_w = jax.random.normal(ks[1], (2 * H, C), dtype=jnp.float32) * 0.02
    wave_b = jax.random.normal(ks[2], (2 * H,), dtype=jnp.float32) * 0.02
    kernel_w = jax.random.normal(ks[3], (H * K, C), dtype=jnp.float32) * 0.02
    kernel_b = jnp.zeros((H * K,), dtype=jnp.float32)
    out_w = jax.random.normal(ks[4], (C, C), dtype=jnp.float32) * 0.02
    return {"x": x, "wave_w": wave_w, "wave_b": wave_b,
            "kernel_w": kernel_w, "kernel_b": kernel_b, "out_w": out_w}


def _silu(v):
    return v * jax.nn.sigmoid(v)


def _gather_conv(x, freq, phase, kernel, start):
    # x: [B,L,C]; freq/phase: [B,cl,H]; kernel: [B,cl,H,K]
    Bb, Ll, Cc = x.shape
    cl = freq.shape[1]
    pos = (start + jnp.arange(cl)).astype(jnp.float32)            # [cl]
    s = (jnp.arange(S) - HALF_S).astype(jnp.float32)              # [S]
    off = s[None, None, None, :] * freq[..., None] + phase[..., None]  # [B,cl,H,S]
    off = jnp.clip(off, -MAX_RECEPTIVE, MAX_RECEPTIVE)
    p = pos[None, :, None, None] + off                            # [B,cl,H,S]
    p = jnp.clip(p, 0.0, float(Ll - 1))
    i0f = jnp.floor(p)
    frac = p - i0f
    i0 = i0f.astype(jnp.int32)
    i1 = jnp.minimum(i0 + 1, Ll - 1)
    xh = x.reshape(Bb, Ll, H, D).transpose(0, 2, 1, 3)            # [B,H,L,D]
    idx0 = i0.transpose(0, 2, 1, 3)                               # [B,H,cl,S]
    idx1 = i1.transpose(0, 2, 1, 3)

    def g(x_bh, idx_bh):                                          # [L,D],[cl,S] -> [cl,S,D]
        return x_bh[idx_bh]

    gat = jax.vmap(jax.vmap(g))
    g0 = gat(xh, idx0)                                            # [B,H,cl,S,D]
    g1 = gat(xh, idx1)
    fr = frac.transpose(0, 2, 1, 3)[..., None]                    # [B,H,cl,S,1]
    samples = (1.0 - fr) * g0 + fr * g1                           # linear interp gather
    w = kernel[..., :S].transpose(0, 2, 1, 3)[..., None]          # first S taps: [B,H,cl,S,1]
    hid = jnp.sum(w * samples, axis=3)                            # [B,H,cl,D]
    return hid.transpose(0, 2, 1, 3).reshape(Bb, cl, Cc)


def reference(x, wave_w, wave_b, kernel_w, kernel_b, out_w):
    Bb, Ll, Cc = x.shape
    chunk = min(CHUNK, Ll)
    outs = []
    for start in range(0, Ll, chunk):
        end = min(start + chunk, Ll)
        cl = end - start
        xc = x[:, start:end, :]
        wave = _silu(xc @ wave_w.T + wave_b).reshape(Bb, cl, 2, H)
        freq = jax.nn.sigmoid(wave[:, :, 0, :]) * (MAX_FREQ - MIN_FREQ) + MIN_FREQ
        phase = jnp.tanh(wave[:, :, 1, :]) * MAX_FREQ
        kern = _silu(xc @ kernel_w.T + kernel_b).reshape(Bb, cl, H, K)
        hid = _gather_conv(x, freq, phase, kern, start)
        outs.append(_silu(hid @ out_w.T))
    return jnp.concatenate(outs, axis=1)

if __name__ == "__main__":
    import jax
    _d = setup_inputs()
    print(jax.jit(kernel)(*tuple(_d.values())))

</pallas_src>

<mosaic_0001>
#map = affine_map<(d0, d1) -> (0, 0)>
#map1 = affine_map<(d0, d1) -> (0)>
module attributes {stable_mosaic.version = 14 : i64} {
  func.func @_sc_gather(%arg0: i32, %arg1: i32, %arg2: memref<2048x1024xf32, #tpu.memory_space<hbm>>, %arg3: memref<655360xi32, #tpu.memory_space<hbm>>, %arg4: memref<655360xf32, #tpu.memory_space<hbm>>, %arg5: memref<655360xf32, #tpu.memory_space<hbm>>, %arg6: memref<16384x128xf32, #tpu.memory_space<hbm>>, %arg7: memref<656x128xf32, #tpu.memory_space<vmem>>, %arg8: memref<5136xi32, #tpu.memory_space<vmem>>, %arg9: memref<5136xf32, #tpu.memory_space<vmem>>, %arg10: memref<5136xf32, #tpu.memory_space<vmem>>, %arg11: memref<128x128xf32, #tpu.memory_space<vmem>>, %arg12: memref<!tpu.dma_semaphore, #tpu.memory_space<semaphore_mem>>) attributes {dimension_semantics = [#tpu.dimension_semantics<core_parallel>, #tpu.dimension_semantics<subcore_parallel>], iteration_bounds = array<i64: 2, 16>, scalar_prefetch = 0 : i64, scratch_operands = 6 : i64, tpu.core_type = #tpu.core_type<sc_vector_subcore>, window_params = [{transform_indices = #map}, {transform_indices = #map1}, {transform_indices = #map1}, {transform_indices = #map1}, {transform_indices = #map}]} {
    %mul3A = arith.constant 2 : i32
    %mul3A_0 = arith.muli %arg1, %mul3A : i32
    %add3A = arith.addi %mul3A_0, %arg0 : i32
    %jit3A = arith.constant 4 : i32
    %div3A = arith.divsi %add3A, %jit3A : i32
    %sign3A = arith.constant 0 : i32
    %sign3A_1 = arith.cmpi sgt, %add3A, %sign3A : i32
    %sign3A_2 = arith.extui %sign3A_1 : i1 to i32
    %sign3A_3 = arith.constant 0 : i32
    %sign3A_4 = arith.cmpi slt, %add3A, %sign3A_3 : i32
    %sign3A_5 = arith.extui %sign3A_4 : i1 to i32
    %sign3A_6 = arith.subi %sign3A_2, %sign3A_5 : i32
    %sign3A_7 = arith.constant 0 : i32
    %sign3A_8 = arith.cmpi sgt, %jit3A, %sign3A_7 : i32
    %sign3A_9 = arith.extui %sign3A_8 : i1 to i32
    %sign3A_10 = arith.constant 0 : i32
    %sign3A_11 = arith.cmpi slt, %jit3A, %sign3A_10 : i32
    %sign3A_12 = arith.extui %sign3A_11 : i1 to i32
    %sign3A_13 = arith.subi %sign3A_9, %sign3A_12 : i32
    %ne3A = arith.cmpi ne, %sign3A_6, %sign3A_13 : i32
    %rem3A = arith.remsi %add3A, %jit3A : i32
    %ne3A_14 = arith.constant 0 : i32
    %ne3A_15 = arith.cmpi ne, %rem3A, %ne3A_14 : i32
    %and3A = arith.andi %ne3A, %ne3A_15 : i1
    %sub3A = arith.constant 1 : i32
    %sub3A_16 = arith.subi %div3A, %sub3A : i32
    %select_n3A = arith.select %and3A, %sub3A_16, %div3A : i32
    %jit3A_17 = arith.constant 4 : i32
    %eq3A = arith.constant 0 : i32
    %eq3A_18 = arith.cmpi eq, %jit3A_17, %eq3A : i32
    %jit3A_19 = arith.constant 1 : i32
    %select_n3A_20 = arith.select %eq3A_18, %jit3A_19, %jit3A_17 : i32
    %rem3A_21 = arith.remsi %add3A, %select_n3A_20 : i32
    %ne3A_22 = arith.constant 0 : i32
    %ne3A_23 = arith.cmpi ne, %rem3A_21, %ne3A_22 : i32
    %lt3A = arith.constant 0 : i32
    %lt3A_24 = arith.cmpi slt, %rem3A_21, %lt3A : i32
    %lt3A_25 = arith.constant 0 : i32
    %lt3A_26 = arith.cmpi slt, %select_n3A_20, %lt3A_25 : i32
    %ne3A_27 = arith.xori %lt3A_24, %lt3A_26 : i1
    %and3A_28 = arith.andi %ne3A_27, %ne3A_23 : i1
    %add3A_29 = arith.addi %rem3A_21, %select_n3A_20 : i32
    %select_n3A_30 = arith.select %and3A_28, %add3A_29, %rem3A_21 : i32
    %mul3A_31 = arith.constant 512 : i32
    %mul3A_32 = arith.muli %select_n3A_30, %mul3A_31 : i32
    %scan3A = arith.constant 0 : i32
    %scan3A_33 = arith.constant 0 : i32
    %scan3A_34 = arith.constant 4 : i32
    %scan3A_35 = arith.addi %scan3A_33, %scan3A_34 : i32
    %scan3A_36 = arith.constant 1 : i32
    scf.for %scan3A_38 = %scan3A_33 to %scan3A_35 step %scan3A_36  : i32 {
      %mul3A_39 = arith.constant 128 : i32
      %mul3A_40 = arith.muli %scan3A_38, %mul3A_39 : i32
      %add3A_41 = arith.addi %mul3A_32, %mul3A_40 : i32
      %sub3A_42 = arith.constant 264 : i32
      %sub3A_43 = arith.subi %add3A_41, %sub3A_42 : i32
      %jit3A_44 = arith.constant 0 : i32
      %jit3A_45 = arith.constant 1392 : i32
      %max3A = arith.maxsi %jit3A_44, %sub3A_43 : i32
      %min3A = arith.minsi %jit3A_45, %max3A : i32
      %mul3A_46 = arith.constant 2048 : i32
      %mul3A_47 = arith.muli %select_n3A, %mul3A_46 : i32
      %add3A_48 = arith.addi %mul3A_47, %add3A_41 : i32
      %mul3A_49 = arith.constant 40 : i32
      %mul3A_50 = arith.muli %add3A_48, %mul3A_49 : i32
      %multiple_of3A = tpu.assume_multiple %mul3A_50, 8 : i32
      %multiple_of3A_51 = tpu.assume_multiple %min3A, 8 : i32
      %mul3A_52 = arith.constant 128 : i32
      %mul3A_53 = arith.muli %select_n3A, %mul3A_52 : i32
      %multiple_of3A_54 = tpu.assume_multiple %mul3A_53, 128 : i32
      %dma_start3A = tpu.memref_slice %arg2[%multiple_of3A_51, %multiple_of3A_54] : memref<2048x1024xf32, #tpu.memory_space<hbm>> -> memref<656x128xf32, #tpu.memory_space<hbm>>
      %dma_start3A_55 = tpu.memref_slice %arg2[%multiple_of3A_51, %multiple_of3A_54] : memref<2048x1024xf32, #tpu.memory_space<hbm>> -> memref<656x128xf32, #tpu.memory_space<hbm>>
      tpu.enqueue_dma source(%dma_start3A_55 : memref<656x128xf32, #tpu.memory_space<hbm>>) target(%arg7 : memref<656x128xf32, #tpu.memory_space<vmem>>) target_semaphore(%arg12 : memref<!tpu.dma_semaphore, #tpu.memory_space<semaphore_mem>>)
      %dma_start3A_56 = arith.constant 0 : i32
      %dma_start3A_57 = tpu.memref_slice %arg8[%dma_start3A_56] : memref<5136xi32, #tpu.memory_space<vmem>> -> memref<5120xi32, #tpu.memory_space<vmem>>
      %dma_start3A_58 = tpu.memref_slice %arg3[%multiple_of3A] : memref<655360xi32, #tpu.memory_space<hbm>> -> memref<5120xi32, #tpu.memory_space<hbm>>
      %dma_start3A_59 = arith.constant 0 : i32
      %dma_start3A_60 = tpu.memref_slice %arg8[%dma_start3A_59] : memref<5136xi32, #tpu.memory_space<vmem>> -> memref<5120xi32, #tpu.memory_space<vmem>>
      %dma_start3A_61 = tpu.memref_slice %arg3[%multiple_of3A] : memref<655360xi32, #tpu.memory_space<hbm>> -> memref<5120xi32, #tpu.memory_space<hbm>>
      tpu.enqueue_dma source(%dma_start3A_61 : memref<5120xi32, #tpu.memory_space<hbm>>) target(%dma_start3A_60 : memref<5120xi32, #tpu.memory_space<vmem>>) target_semaphore(%arg12 : memref<!tpu.dma_semaphore, #tpu.memory_space<semaphore_mem>>)
      %dma_start3A_62 = arith.constant 0 : i32
      %dma_start3A_63 = tpu.memref_slice %arg9[%dma_start3A_62] : memref<5136xf32, #tpu.memory_space<vmem>> -> memref<5120xf32, #tpu.memory_space<vmem>>
      %dma_start3A_64 = tpu.memref_slice %arg4[%multiple_of3A] : memref<655360xf32, #tpu.memory_space<hbm>> -> memref<5120xf32, #tpu.memory_space<hbm>>
      %dma_start3A_65 = arith.constant 0 : i32
      %dma_start3A_66 = tpu.memref_slice %arg9[%dma_start3A_65] : memref<5136xf32, #tpu.memory_space<vmem>> -> memref<5120xf32, #tpu.memory_space<vmem>>
      %dma_start3A_67 = tpu.memref_slice %arg4[%multiple_of3A] : memref<655360xf32, #tpu.memory_space<hbm>> -> memref<5120xf32, #tpu.memory_space<hbm>>
      tpu.enqueue_dma source(%dma_start3A_67 : memref<5120xf32, #tpu.memory_space<hbm>>) target(%dma_start3A_66 : memref<5120xf32, #tpu.memory_space<vmem>>) target_semaphore(%arg12 : memref<!tpu.dma_semaphore, #tpu.memory_space<semaphore_mem>>)
      %dma_start3A_68 = arith.constant 0 : i32
      %dma_start3A_69 = tpu.memref_slice %arg10[%dma_start3A_68] : memref<5136xf32, #tpu.memory_space<vmem>> -> memref<5120xf32, #tpu.memory_space<vmem>>
      %dma_start3A_70 = tpu.memref_slice %arg5[%multiple_of3A] : memref<655360xf32, #tpu.memory_space<hbm>> -> memref<5120xf32, #tpu.memory_space<hbm>>
      %dma_start3A_71 = arith.constant 0 : i32
      %dma_start3A_72 = tpu.memref_slice %arg10[%dma_start3A_71] : memref<5136xf32, #tpu.memory_space<vmem>> -> memref<5120xf32, #tpu.memory_space<vmem>>
      %dma_start3A_73 = tpu.memref_slice %arg5[%multiple_of3A] : memref<655360xf32, #tpu.memory_space<hbm>> -> memref<5120xf32, #tpu.memory_space<hbm>>
      tpu.enqueue_dma source(%dma_start3A_73 : memref<5120xf32, #tpu.memory_space<hbm>>) target(%dma_start3A_72 : memref<5120xf32, #tpu.memory_space<vmem>>) target_semaphore(%arg12 : memref<!tpu.dma_semaphore, #tpu.memory_space<semaphore_mem>>)
      %dma_wait3A = tpu.memref_slice %arg2[%multiple_of3A_51, %multiple_of3A_54] : memref<2048x1024xf32, #tpu.memory_space<hbm>> -> memref<656x128xf32, #tpu.memory_space<hbm>>
      %dma_wait3A_74 = tpu.memref_slice %arg2[%multiple_of3A_51, %multiple_of3A_54] : memref<2048x1024xf32, #tpu.memory_space<hbm>> -> memref<656x128xf32, #tpu.memory_space<hbm>>
      tpu.wait_dma2 semaphore(%arg12 : memref<!tpu.dma_semaphore, #tpu.memory_space<semaphore_mem>>) src(%dma_wait3A_74 : memref<656x128xf32, #tpu.memory_space<hbm>>) dst(%arg7 : memref<656x128xf32, #tpu.memory_space<vmem>>)
      %dma_wait3A_75 = arith.constant 0 : i32
      %dma_wait3A_76 = tpu.memref_slice %arg8[%dma_wait3A_75] : memref<5136xi32, #tpu.memory_space<vmem>> -> memref<5120xi32, #tpu.memory_space<vmem>>
      %dma_wait3A_77 = tpu.memref_slice %arg3[%multiple_of3A] : memref<655360xi32, #tpu.memory_space<hbm>> -> memref<5120xi32, #tpu.memory_space<hbm>>
      %dma_wait3A_78 = arith.constant 0 : i32
      %dma_wait3A_79 = tpu.memref_slice %arg8[%dma_wait3A_78] : memref<5136xi32, #tpu.memory_space<vmem>> -> memref<5120xi32, #tpu.memory_space<vmem>>
      %dma_wait3A_80 = tpu.memref_slice %arg3[%multiple_of3A] : memref<655360xi32, #tpu.memory_space<hbm>> -> memref<5120xi32, #tpu.memory_space<hbm>>
      tpu.wait_dma2 semaphore(%arg12 : memref<!tpu.dma_semaphore, #tpu.memory_space<semaphore_mem>>) src(%dma_wait3A_80 : memref<5120xi32, #tpu.memory_space<hbm>>) dst(%dma_wait3A_79 : memref<5120xi32, #tpu.memory_space<vmem>>)
      %dma_wait3A_81 = arith.constant 0 : i32
      %dma_wait3A_82 = tpu.memref_slice %arg9[%dma_wait3A_81] : memref<5136xf32, #tpu.memory_space<vmem>> -> memref<5120xf32, #tpu.memory_space<vmem>>
      %dma_wait3A_83 = tpu.memref_slice %arg4[%multiple_of3A] : memref<655360xf32, #tpu.memory_space<hbm>> -> memref<5120xf32, #tpu.memory_space<hbm>>
      %dma_wait3A_84 = arith.constant 0 : i32
      %dma_wait3A_85 = tpu.memref_slice %arg9[%dma_wait3A_84] : memref<5136xf32, #tpu.memory_space<vmem>> -> memref<5120xf32, #tpu.memory_space<vmem>>
      %dma_wait3A_86 = tpu.memref_slice %arg4[%multiple_of3A] : memref<655360xf32, #tpu.memory_space<hbm>> -> memref<5120xf32, #tpu.memory_space<hbm>>
      tpu.wait_dma2 semaphore(%arg12 : memref<!tpu.dma_semaphore, #tpu.memory_space<semaphore_mem>>) src(%dma_wait3A_86 : memref<5120xf32, #tpu.memory_space<hbm>>) dst(%dma_wait3A_85 : memref<5120xf32, #tpu.memory_space<vmem>>)
      %dma_wait3A_87 = arith.constant 0 : i32
      %dma_wait3A_88 = tpu.memref_slice %arg10[%dma_wait3A_87] : memref<5136xf32, #tpu.memory_space<vmem>> -> memref<5120xf32, #tpu.memory_space<vmem>>
      %dma_wait3A_89 = tpu.memref_slice %arg5[%multiple_of3A] : memref<655360xf32, #tpu.memory_space<hbm>> -> memref<5120xf32, #tpu.memory_space<hbm>>
      %dma_wait3A_90 = arith.constant 0 : i32
      %dma_wait3A_91 = tpu.memref_slice %arg10[%dma_wait3A_90] : memref<5136xf32, #tpu.memory_space<vmem>> -> memref<5120xf32, #tpu.memory_space<vmem>>
      %dma_wait3A_92 = tpu.memref_slice %arg5[%multiple_of3A] : memref<655360xf32, #tpu.memory_space<hbm>> -> memref<5120xf32, #tpu.memory_space<hbm>>
      tpu.wait_dma2 semaphore(%arg12 : memref<!tpu.dma_semaphore, #tpu.memory_space<semaphore_mem>>) src(%dma_wait3A_92 : memref<5120xf32, #tpu.memory_space<hbm>>) dst(%dma_wait3A_91 : memref<5120xf32, #tpu.memory_space<vmem>>)
      %scan3A_93 = arith.constant 0 : i32
      %scan3A_94 = arith.constant 0 : i32
      %scan3A_95 = arith.constant 128 : i32
      %scan3A_96 = arith.addi %scan3A_94, %scan3A_95 : i32
      %scan3A_97 = arith.constant 1 : i32
      scf.for %scan3A_103 = %scan3A_94 to %scan3A_96 step %scan3A_97  : i32 {
        %mul3A_104 = arith.constant 40 : i32
        %mul3A_105 = arith.muli %scan3A_103, %mul3A_104 : i32
        %broadcast_in_dim3A = arith.constant 0.000000e+00 : f32
        %broadcast_in_dim3A_106 = vector.broadcast %broadcast_in_dim3A : f32 to vector<16xf32>
        %broadcast_in_dim3A_107 = arith.constant 0.000000e+00 : f32
        %broadcast_in_dim3A_108 = vector.broadcast %broadcast_in_dim3A_107 : f32 to vector<16xf32>
        %broadcast_in_dim3A_109 = arith.constant 0.000000e+00 : f32
        %broadcast_in_dim3A_110 = vector.broadcast %broadcast_in_dim3A_109 : f32 to vector<16xf32>
        %broadcast_in_dim3A_111 = arith.constant 0.000000e+00 : f32
        %broadcast_in_dim3A_112 = vector.broadcast %broadcast_in_dim3A_111 : f32 to vector<16xf32>
        %broadcast_in_dim3A_113 = arith.constant 0.000000e+00 : f32
        %broadcast_in_dim3A_114 = vector.broadcast %broadcast_in_dim3A_113 : f32 to vector<16xf32>
        %broadcast_in_dim3A_115 = arith.constant 0.000000e+00 : f32
        %broadcast_in_dim3A_116 = vector.broadcast %broadcast_in_dim3A_115 : f32 to vector<16xf32>
        %broadcast_in_dim3A_117 = arith.constant 0.000000e+00 : f32
        %broadcast_in_dim3A_118 = vector.broadcast %broadcast_in_dim3A_117 : f32 to vector<16xf32>
        %broadcast_in_dim3A_119 = arith.constant 0.000000e+00 : f32
        %broadcast_in_dim3A_120 = vector.broadcast %broadcast_in_dim3A_119 : f32 to vector<16xf32>
        %scan3A_121 = arith.constant 0 : i32
        %scan3A_122 = arith.constant 33 : i32
        %scan3A_123 = arith.addi %scan3A_121, %scan3A_122 : i32
        %scan3A_124 = arith.constant 1 : i32
        %scan3A_125:8 = scf.for %scan3A_166 = %scan3A_121 to %scan3A_123 step %scan3A_124 iter_args(%scan3A_167 = %broadcast_in_dim3A_106, %scan3A_168 = %broadcast_in_dim3A_108, %scan3A_169 = %broadcast_in_dim3A_110, %scan3A_170 = %broadcast_in_dim3A_112, %scan3A_171 = %broadcast_in_dim3A_114, %scan3A_172 = %broadcast_in_dim3A_116, %scan3A_173 = %broadcast_in_dim3A_118, %scan3A_174 = %broadcast_in_dim3A_120) -> (vector<16xf32>, vector<16xf32>, vector<16xf32>, vector<16xf32>, vector<16xf32>, vector<16xf32>, vector<16xf32>, vector<16xf32>)  : i32 {
          %add3A_175 = arith.addi %mul3A_105, %scan3A_166 : i32
          %get3A = arith.index_cast %add3A_175 : i32 to index
          %get3A_176 = tpu.vector_load %arg8[%get3A] {strides = array<i32>} : memref<5136xi32, #tpu.memory_space<vmem>>, vector<16xi32>,
          %get3A_177 = vector.shape_cast %get3A_176 : vector<16xi32> to vector<16xi32>
          %slice3A = vector.extract_strided_slice %get3A_177 {offsets = [0], sizes = [1], strides = [1]} : vector<16xi32> to vector<1xi32>
          %squeeze3A = vector.extract %slice3A[0] : i32 from vector<1xi32>
          %add3A_178 = arith.addi %mul3A_105, %scan3A_166 : i32
          %get3A_179 = arith.index_cast %add3A_178 : i32 to index
          %get3A_180 = tpu.vector_load %arg9[%get3A_179] {strides = array<i32>} : memref<5136xf32, #tpu.memory_space<vmem>>, vector<16xf32>,
          %get3A_181 = vector.shape_cast %get3A_180 : vector<16xf32> to vector<16xf32>
          %slice3A_182 = vector.extract_strided_slice %get3A_181 {offsets = [0], sizes = [1], strides = [1]} : vector<16xf32> to vector<1xf32>
          %squeeze3A_183 = vector.extract %slice3A_182[0] : f32 from vector<1xf32>
          %add3A_184 = arith.addi %mul3A_105, %scan3A_166 : i32
          %get3A_185 = arith.index_cast %add3A_184 : i32 to index
          %get3A_186 = tpu.vector_load %arg10[%get3A_185] {strides = array<i32>} : memref<5136xf32, #tpu.memory_space<vmem>>, vector<16xf32>,
          %get3A_187 = vector.shape_cast %get3A_186 : vector<16xf32> to vector<16xf32>
          %slice3A_188 = vector.extract_strided_slice %get3A_187 {offsets = [0], sizes = [1], strides = [1]} : vector<16xf32> to vector<1xf32>
          %squeeze3A_189 = vector.extract %slice3A_188[0] : f32 from vector<1xf32>
          %get3A_190 = arith.index_cast %squeeze3A : i32 to index
          %get3A_191 = arith.constant 0 : index
          %get3A_192 = tpu.vector_load %arg7[%get3A_190, %get3A_191] {strides = array<i32>} : memref<656x128xf32, #tpu.memory_space<vmem>>, vector<1x16xf32>,
          %get3A_193 = vector.shape_cast %get3A_192 : vector<1x16xf32> to vector<16xf32>
          %mul3A_194 = vector.broadcast %squeeze3A_183 : f32 to vector<16xf32>
          %mul3A_195 = arith.mulf %mul3A_194, %get3A_193 : vector<16xf32>
          %add3A_196 = arith.addf %scan3A_167, %mul3A_195 : vector<16xf32>
          %add3A_197 = arith.constant 1 : i32
          %add3A_198 = arith.addi %squeeze3A, %add3A_197 : i32
          %get3A_199 = arith.index_cast %add3A_198 : i32 to index
          %get3A_200 = arith.constant 0 : index
          %get3A_201 = tpu.vector_load %arg7[%get3A_199, %get3A_200] {strides = array<i32>} : memref<656x128xf32, #tpu.memory_space<vmem>>, vector<1x16xf32>,
          %get3A_202 = vector.shape_cast %get3A_201 : vector<1x16xf32> to vector<16xf32>
          %mul3A_203 = vector.broadcast %squeeze3A_189 : f32 to vector<16xf32>
          %mul3A_204 = arith.mulf %mul3A_203, %get3A_202 : vector<16xf32>
          %add3A_205 = arith.addf %add3A_196, %mul3A_204 : vector<16xf32>
          %get3A_206 = arith.index_cast %squeeze3A : i32 to index
          %get3A_207 = arith.constant 16 : index
          %get3A_208 = tpu.vector_load %arg7[%get3A_206, %get3A_207] {strides = array<i32>} : memref<656x128xf32, #tpu.memory_space<vmem>>, vector<1x16xf32>,
          %get3A_209 = vector.shape_cast %get3A_208 : vector<1x16xf32> to vector<16xf32>
          %mul3A_210 = vector.broadcast %squeeze3A_183 : f32 to vector<16xf32>
          %mul3A_211 = arith.mulf %mul3A_210, %get3A_209 : vector<16xf32>
          %add3A_212 = arith.addf %scan3A_168, %mul3A_211 : vector<16xf32>
          %add3A_213 = arith.constant 1 : i32
          %add3A_214 = arith.addi %squeeze3A, %add3A_213 : i32
          %get3A_215 = arith.index_cast %add3A_214 : i32 to index
          %get3A_216 = arith.constant 16 : index
          %get3A_217 = tpu.vector_load %arg7[%get3A_215, %get3A_216] {strides = array<i32>} : memref<656x128xf32, #tpu.memory_space<vmem>>, vector<1x16xf32>,
          %get3A_218 = vector.shape_cast %get3A_217 : vector<1x16xf32> to vector<16xf32>
          %mul3A_219 = vector.broadcast %squeeze3A_189 : f32 to vector<16xf32>
          %mul3A_220 = arith.mulf %mul3A_219, %get3A_218 : vector<16xf32>
          %add3A_221 = arith.addf %add3A_212, %mul3A_220 : vector<16xf32>
          %get3A_222 = arith.index_cast %squeeze3A : i32 to index
          %get3A_223 = arith.constant 32 : index
          %get3A_224 = tpu.vector_load %arg7[%get3A_222, %get3A_223] {strides = array<i32>} : memref<656x128xf32, #tpu.memory_space<vmem>>, vector<1x16xf32>,
          %get3A_225 = vector.shape_cast %get3A_224 : vector<1x16xf32> to vector<16xf32>
          %mul3A_226 = vector.broadcast %squeeze3A_183 : f32 to vector<16xf32>
          %mul3A_227 = arith.mulf %mul3A_226, %get3A_225 : vector<16xf32>
          %add3A_228 = arith.addf %scan3A_169, %mul3A_227 : vector<16xf32>
          %add3A_229 = arith.constant 1 : i32
          %add3A_230 = arith.addi %squeeze3A, %add3A_229 : i32
          %get3A_231 = arith.index_cast %add3A_230 : i32 to index
          %get3A_232 = arith.constant 32 : index
          %get3A_233 = tpu.vector_load %arg7[%get3A_231, %get3A_232] {strides = array<i32>} : memref<656x128xf32, #tpu.memory_space<vmem>>, vector<1x16xf32>,
          %get3A_234 = vector.shape_cast %get3A_233 : vector<1x16xf32> to vector<16xf32>
          %mul3A_235 = vector.broadcast %squeeze3A_189 : f32 to vector<16xf32>
          %mul3A_236 = arith.mulf %mul3A_235, %get3A_234 : vector<16xf32>
          %add3A_237 = arith.addf %add3A_228, %mul3A_236 : vector<16xf32>
          %get3A_238 = arith.index_cast %squeeze3A : i32 to index
          %get3A_239 = arith.constant 48 : index
          %get3A_240 = tpu.vector_load %arg7[%get3A_238, %get3A_239] {strides = array<i32>} : memref<656x128xf32, #tpu.memory_space<vmem>>, vector<1x16xf32>,
          %get3A_241 = vector.shape_cast %get3A_240 : vector<1x16xf32> to vector<16xf32>
          %mul3A_242 = vector.broadcast %squeeze3A_183 : f32 to vector<16xf32>
          %mul3A_243 = arith.mulf %mul3A_242, %get3A_241 : vector<16xf32>
          %add3A_244 = arith.addf %scan3A_170, %mul3A_243 : vector<16xf32>
          %add3A_245 = arith.constant 1 : i32
          %add3A_246 = arith.addi %squeeze3A, %add3A_245 : i32
          %get3A_247 = arith.index_cast %add3A_246 : i32 to index
          %get3A_248 = arith.constant 48 : index
          %get3A_249 = tpu.vector_load %arg7[%get3A_247, %get3A_248] {strides = array<i32>} : memref<656x128xf32, #tpu.memory_space<vmem>>, vector<1x16xf32>,
          %get3A_250 = vector.shape_cast %get3A_249 : vector<1x16xf32> to vector<16xf32>
          %mul3A_251 = vector.broadcast %squeeze3A_189 : f32 to vector<16xf32>
          %mul3A_252 = arith.mulf %mul3A_251, %get3A_250 : vector<16xf32>
          %add3A_253 = arith.addf %add3A_244, %mul3A_252 : vector<16xf32>
          %get3A_254 = arith.index_cast %squeeze3A : i32 to index
          %get3A_255 = arith.constant 64 : index
          %get3A_256 = tpu.vector_load %arg7[%get3A_254, %get3A_255] {strides = array<i32>} : memref<656x128xf32, #tpu.memory_space<vmem>>, vector<1x16xf32>,
          %get3A_257 = vector.shape_cast %get3A_256 : vector<1x16xf32> to vector<16xf32>
          %mul3A_258 = vector.broadcast %squeeze3A_183 : f32 to vector<16xf32>
          %mul3A_259 = arith.mulf %mul3A_258, %get3A_257 : vector<16xf32>
          %add3A_260 = arith.addf %scan3A_171, %mul3A_259 : vector<16xf32>
          %add3A_261 = arith.constant 1 : i32
          %add3A_262 = arith.addi %squeeze3A, %add3A_261 : i32
          %get3A_263 = arith.index_cast %add3A_262 : i32 to index
          %get3A_264 = arith.constant 64 : index
          %get3A_265 = tpu.vector_load %arg7[%get3A_263, %get3A_264] {strides = array<i32>} : memref<656x128xf32, #tpu.memory_space<vmem>>, vector<1x16xf32>,
          %get3A_266 = vector.shape_cast %get3A_265 : vector<1x16xf32> to vector<16xf32>
          %mul3A_267 = vector.broadcast %squeeze3A_189 : f32 to vector<16xf32>
          %mul3A_268 = arith.mulf %mul3A_267, %get3A_266 : vector<16xf32>
          %add3A_269 = arith.addf %add3A_260, %mul3A_268 : vector<16xf32>
          %get3A_270 = arith.index_cast %squeeze3A : i32 to index
          %get3A_271 = arith.constant 80 : index
          %get3A_272 = tpu.vector_load %arg7[%get3A_270, %get3A_271] {strides = array<i32>} : memref<656x128xf32, #tpu.memory_space<vmem>>, vector<1x16xf32>,
          %get3A_273 = vector.shape_cast %get3A_272 : vector<1x16xf32> to vector<16xf32>
          %mul3A_274 = vector.broadcast %squeeze3A_183 : f32 to vector<16xf32>
          %mul3A_275 = arith.mulf %mul3A_274, %get3A_273 : vector<16xf32>
          %add3A_276 = arith.addf %scan3A_172, %mul3A_275 : vector<16xf32>
          %add3A_277 = arith.constant 1 : i32
          %add3A_278 = arith.addi %squeeze3A, %add3A_277 : i32
          %get3A_279 = arith.index_cast %add3A_278 : i32 to index
          %get3A_280 = arith.constant 80 : index
          %get3A_281 = tpu.vector_load %arg7[%get3A_279, %get3A_280] {strides = array<i32>} : memref<656x128xf32, #tpu.memory_space<vmem>>, vector<1x16xf32>,
          %get3A_282 = vector.shape_cast %get3A_281 : vector<1x16xf32> to vector<16xf32>
          %mul3A_283 = vector.broadcast %squeeze3A_189 : f32 to vector<16xf32>
          %mul3A_284 = arith.mulf %mul3A_283, %get3A_282 : vector<16xf32>
          %add3A_285 = arith.addf %add3A_276, %mul3A_284 : vector<16xf32>
          %get3A_286 = arith.index_cast %squeeze3A : i32 to index
          %get3A_287 = arith.constant 96 : index
          %get3A_288 = tpu.vector_load %arg7[%get3A_286, %get3A_287] {strides = array<i32>} : memref<656x128xf32, #tpu.memory_space<vmem>>, vector<1x16xf32>,
          %get3A_289 = vector.shape_cast %get3A_288 : vector<1x16xf32> to vector<16xf32>
          %mul3A_290 = vector.broadcast %squeeze3A_183 : f32 to vector<16xf32>
          %mul3A_291 = arith.mulf %mul3A_290, %get3A_289 : vector<16xf32>
          %add3A_292 = arith.addf %scan3A_173, %mul3A_291 : vector<16xf32>
          %add3A_293 = arith.constant 1 : i32
          %add3A_294 = arith.addi %squeeze3A, %add3A_293 : i32
          %get3A_295 = arith.index_cast %add3A_294 : i32 to index
          %get3A_296 = arith.constant 96 : index
          %get3A_297 = tpu.vector_load %arg7[%get3A_295, %get3A_296] {strides = array<i32>} : memref<656x128xf32, #tpu.memory_space<vmem>>, vector<1x16xf32>,
          %get3A_298 = vector.shape_cast %get3A_297 : vector<1x16xf32> to vector<16xf32>
          %mul3A_299 = vector.broadcast %squeeze3A_189 : f32 to vector<16xf32>
          %mul3A_300 = arith.mulf %mul3A_299, %get3A_298 : vector<16xf32>
          %add3A_301 = arith.addf %add3A_292, %mul3A_300 : vector<16xf32>
          %get3A_302 = arith.index_cast %squeeze3A : i32 to index
          %get3A_303 = arith.constant 112 : index
          %get3A_304 = tpu.vector_load %arg7[%get3A_302, %get3A_303] {strides = array<i32>} : memref<656x128xf32, #tpu.memory_space<vmem>>, vector<1x16xf32>,
          %get3A_305 = vector.shape_cast %get3A_304 : vector<1x16xf32> to vector<16xf32>
          %mul3A_306 = vector.broadcast %squeeze3A_183 : f32 to vector<16xf32>
          %mul3A_307 = arith.mulf %mul3A_306, %get3A_305 : vector<16xf32>
          %add3A_308 = arith.addf %scan3A_174, %mul3A_307 : vector<16xf32>
          %add3A_309 = arith.constant 1 : i32
          %add3A_310 = arith.addi %squeeze3A, %add3A_309 : i32
          %get3A_311 = arith.index_cast %add3A_310 : i32 to index
          %get3A_312 = arith.constant 112 : index
          %get3A_313 = tpu.vector_load %arg7[%get3A_311, %get3A_312] {strides = array<i32>} : memref<656x128xf32, #tpu.memory_space<vmem>>, vector<1x16xf32>,
          %get3A_314 = vector.shape_cast %get3A_313 : vector<1x16xf32> to vector<16xf32>
          %mul3A_315 = vector.broadcast %squeeze3A_189 : f32 to vector<16xf32>
          %mul3A_316 = arith.mulf %mul3A_315, %get3A_314 : vector<16xf32>
          %add3A_317 = arith.addf %add3A_308, %mul3A_316 : vector<16xf32>
          scf.yield %add3A_205, %add3A_221, %add3A_237, %add3A_253, %add3A_269, %add3A_285, %add3A_301, %add3A_317 : vector<16xf32>, vector<16xf32>, vector<16xf32>, vector<16xf32>, vector<16xf32>, vector<16xf32>, vector<16xf32>, vector<16xf32>
        }
        %scan3A_126 = arith.constant 33 : i32
        %swap3A = arith.index_cast %scan3A_103 : i32 to index
        %swap3A_127 = arith.constant 0 : index
        %swap3A_128 = tpu.vector_load %arg11[%swap3A, %swap3A_127] {strides = array<i32>} : memref<128x128xf32, #tpu.memory_space<vmem>>, vector<1x16xf32>,
        %swap3A_129 = vector.shape_cast %swap3A_128 : vector<1x16xf32> to vector<16xf32>
        %swap3A_130 = vector.shape_cast %scan3A_125#0 : vector<16xf32> to vector<1x16xf32>
        tpu.vector_store %arg11[%swap3A, %swap3A_127], %swap3A_130 {strides = array<i32>} : memref<128x128xf32, #tpu.memory_space<vmem>>, vector<1x16xf32>,
        %swap3A_131 = arith.index_cast %scan3A_103 : i32 to index
        %swap3A_132 = arith.constant 16 : index
        %swap3A_133 = tpu.vector_load %arg11[%swap3A_131, %swap3A_132] {strides = array<i32>} : memref<128x128xf32, #tpu.memory_space<vmem>>, vector<1x16xf32>,
        %swap3A_134 = vector.shape_cast %swap3A_133 : vector<1x16xf32> to vector<16xf32>
        %swap3A_135 = vector.shape_cast %scan3A_125#1 : vector<16xf32> to vector<1x16xf32>
        tpu.vector_store %arg11[%swap3A_131, %swap3A_132], %swap3A_135 {strides = array<i32>} : memref<128x128xf32, #tpu.memory_space<vmem>>, vector<1x16xf32>,
        %swap3A_136 = arith.index_cast %scan3A_103 : i32 to index
        %swap3A_137 = arith.constant 32 : index
        %swap3A_138 = tpu.vector_load %arg11[%swap3A_136, %swap3A_137] {strides = array<i32>} : memref<128x128xf32, #tpu.memory_space<vmem>>, vector<1x16xf32>,
        %swap3A_139 = vector.shape_cast %swap3A_138 : vector<1x16xf32> to vector<16xf32>
        %swap3A_140 = vector.shape_cast %scan3A_125#2 : vector<16xf32> to vector<1x16xf32>
        tpu.vector_store %arg11[%swap3A_136, %swap3A_137], %swap3A_140 {strides = array<i32>} : memref<128x128xf32, #tpu.memory_space<vmem>>, vector<1x16xf32>,
        %swap3A_141 = arith.index_cast %scan3A_103 : i32 to index
        %swap3A_142 = arith.constant 48 : index
        %swap3A_143 = tpu.vector_load %arg11[%swap3A_141, %swap3A_142] {strides = array<i32>} : memref<128x128xf32, #tpu.memory_space<vmem>>, vector<1x16xf32>,
        %swap3A_144 = vector.shape_cast %swap3A_143 : vector<1x16xf32> to vector<16xf32>
        %swap3A_145 = vector.shape_cast %scan3A_125#3 : vector<16xf32> to vector<1x16xf32>
        tpu.vector_store %arg11[%swap3A_141, %swap3A_142], %swap3A_145 {strides = array<i32>} : memref<128x128xf32, #tpu.memory_space<vmem>>, vector<1x16xf32>,
        %swap3A_146 = arith.index_cast %scan3A_103 : i32 to index
        %swap3A_147 = arith.constant 64 : index
        %swap3A_148 = tpu.vector_load %arg11[%swap3A_146, %swap3A_147] {strides = array<i32>} : memref<128x128xf32, #tpu.memory_space<vmem>>, vector<1x16xf32>,
        %swap3A_149 = vector.shape_cast %swap3A_148 : vector<1x16xf32> to vector<16xf32>
        %swap3A_150 = vector.shape_cast %scan3A_125#4 : vector<16xf32> to vector<1x16xf32>
        tpu.vector_store %arg11[%swap3A_146, %swap3A_147], %swap3A_150 {strides = array<i32>} : memref<128x128xf32, #tpu.memory_space<vmem>>, vector<1x16xf32>,
        %swap3A_151 = arith.index_cast %scan3A_103 : i32 to index
        %swap3A_152 = arith.constant 80 : index
        %swap3A_153 = tpu.vector_load %arg11[%swap3A_151, %swap3A_152] {strides = array<i32>} : memref<128x128xf32, #tpu.memory_space<vmem>>, vector<1x16xf32>,
        %swap3A_154 = vector.shape_cast %swap3A_153 : vector<1x16xf32> to vector<16xf32>
        %swap3A_155 = vector.shape_cast %scan3A_125#5 : vector<16xf32> to vector<1x16xf32>
        tpu.vector_store %arg11[%swap3A_151, %swap3A_152], %swap3A_155 {strides = array<i32>} : memref<128x128xf32, #tpu.memory_space<vmem>>, vector<1x16xf32>,
        %swap3A_156 = arith.index_cast %scan3A_103 : i32 to index
        %swap3A_157 = arith.constant 96 : index
        %swap3A_158 = tpu.vector_load %arg11[%swap3A_156, %swap3A_157] {strides = array<i32>} : memref<128x128xf32, #tpu.memory_space<vmem>>, vector<1x16xf32>,
        %swap3A_159 = vector.shape_cast %swap3A_158 : vector<1x16xf32> to vector<16xf32>
        %swap3A_160 = vector.shape_cast %scan3A_125#6 : vector<16xf32> to vector<1x16xf32>
        tpu.vector_store %arg11[%swap3A_156, %swap3A_157], %swap3A_160 {strides = array<i32>} : memref<128x128xf32, #tpu.memory_space<vmem>>, vector<1x16xf32>,
        %swap3A_161 = arith.index_cast %scan3A_103 : i32 to index
        %swap3A_162 = arith.constant 112 : index
        %swap3A_163 = tpu.vector_load %arg11[%swap3A_161, %swap3A_162] {strides = array<i32>} : memref<128x128xf32, #tpu.memory_space<vmem>>, vector<1x16xf32>,
        %swap3A_164 = vector.shape_cast %swap3A_163 : vector<1x16xf32> to vector<16xf32>
        %swap3A_165 = vector.shape_cast %scan3A_125#7 : vector<16xf32> to vector<1x16xf32>
        tpu.vector_store %arg11[%swap3A_161, %swap3A_162], %swap3A_165 {strides = array<i32>} : memref<128x128xf32, #tpu.memory_space<vmem>>, vector<1x16xf32>,
      }
      %scan3A_98 = arith.constant 128 : i32
      %mul3A_99 = arith.constant 2048 : i32
      %mul3A_100 = arith.muli %select_n3A, %mul3A_99 : i32
      %add3A_101 = arith.addi %mul3A_100, %add3A_41 : i32
      %multiple_of3A_102 = tpu.assume_multiple %add3A_101, 8 : i32
      "tpu.region"() ({
        %run_scoped3A = tpu.sem_alloc : memref<!tpu.dma_semaphore, #tpu.memory_space<semaphore_mem>>
        %dma_start3A_103 = arith.constant 0 : i32
        %dma_start3A_104 = tpu.memref_slice %arg6[%multiple_of3A_102, %dma_start3A_103] : memref<16384x128xf32, #tpu.memory_space<hbm>> -> memref<128x128xf32, #tpu.memory_space<hbm>>
        %dma_start3A_105 = arith.constant 0 : i32
        %dma_start3A_106 = tpu.memref_slice %arg6[%multiple_of3A_102, %dma_start3A_105] : memref<16384x128xf32, #tpu.memory_space<hbm>> -> memref<128x128xf32, #tpu.memory_space<hbm>>
        tpu.enqueue_dma source(%arg11 : memref<128x128xf32, #tpu.memory_space<vmem>>) target(%dma_start3A_106 : memref<128x128xf32, #tpu.memory_space<hbm>>) target_semaphore(%run_scoped3A : memref<!tpu.dma_semaphore, #tpu.memory_space<semaphore_mem>>)
        %dma_wait3A_107 = arith.constant 0 : i32
        %dma_wait3A_108 = tpu.memref_slice %arg6[%multiple_of3A_102, %dma_wait3A_107] : memref<16384x128xf32, #tpu.memory_space<hbm>> -> memref<128x128xf32, #tpu.memory_space<hbm>>
        %dma_wait3A_109 = arith.constant 0 : i32
        %dma_wait3A_110 = tpu.memref_slice %arg6[%multiple_of3A_102, %dma_wait3A_109] : memref<16384x128xf32, #tpu.memory_space<hbm>> -> memref<128x128xf32, #tpu.memory_space<hbm>>
        tpu.wait_dma2 semaphore(%run_scoped3A : memref<!tpu.dma_semaphore, #tpu.memory_space<semaphore_mem>>) src(%arg11 : memref<128x128xf32, #tpu.memory_space<vmem>>) dst(%dma_wait3A_110 : memref<128x128xf32, #tpu.memory_space<hbm>>)
        tpu.yield
      }) : () -> ()
    }
    %scan3A_37 = arith.constant 4 : i32
    return
  }
}

module attributes {stable_mosaic.version = 14 : i64} {
  func.func @_prep_body(%arg0: i32, %arg1: memref<256x1024xf32, #tpu.memory_space<vmem>>, %arg2: memref<16x1024xf32, #tpu.memory_space<vmem>>, %arg3: memref<1x16xf32, #tpu.memory_space<vmem>>, %arg4: memref<264x1024xf32, #tpu.memory_space<vmem>>, %arg5: memref<1x264xf32, #tpu.memory_space<vmem>>, %arg6: memref<8x256x40xi32, #tpu.memory_space<vmem>>, %arg7: memref<8x256x40xf32, #tpu.memory_space<vmem>>, %arg8: memref<8x256x40xf32, #tpu.memory_space<vmem>>) attributes {dimension_semantics = [#tpu.dimension_semantics<arbitrary>], iteration_bounds = array<i64: 8>, scalar_prefetch = 0 : i64, scratch_operands = 0 : i64, tpu.core_type = #tpu.core_type<tc>, window_params = [{transform_indices = @transform_0, window_bounds = array<i64: 256, 1024>}, {pipeline_mode = #tpu.pipeline_mode<synchronous>, transform_indices = @transform_1, window_bounds = array<i64: 16, 1024>}, {pipeline_mode = #tpu.pipeline_mode<synchronous>, transform_indices = @transform_2, window_bounds = array<i64: 1, 16>}, {pipeline_mode = #tpu.pipeline_mode<synchronous>, transform_indices = @transform_3, window_bounds = array<i64: 264, 1024>}, {pipeline_mode = #tpu.pipeline_mode<synchronous>, transform_indices = @transform_4, window_bounds = array<i64: 1, 264>}, {transform_indices = @transform_5, window_bounds = array<i64: 8, 256, 40>}, {transform_indices = @transform_6, window_bounds = array<i64: 8, 256, 40>}, {transform_indices = @transform_7, window_bounds = array<i64: 8, 256, 40>}]} {
    %mul3A = arith.constant 256 : i32
    %mul3A_0 = arith.muli %arg0, %mul3A : i32
    %get3A = arith.constant 0 : index
    %get3A_1 = arith.constant 0 : index
    %get3A_2 = vector.load %arg1[%get3A, %get3A_1] : memref<256x1024xf32, #tpu.memory_space<vmem>>, vector<256x1024xf32>
    %get3A_3 = arith.constant 0 : index
    %get3A_4 = arith.constant 0 : index
    %get3A_5 = vector.load %arg2[%get3A_3, %get3A_4] : memref<16x1024xf32, #tpu.memory_space<vmem>>, vector<16x1024xf32>
    %dot_general3A = arith.constant dense<0.000000e+00> : vector<256x16xf32>
    %dot_general3A_6 = tpu.matmul %get3A_2, %get3A_5, %dot_general3A {dimension_numbers = #tpu.dot_dimension_numbers<[1], [1], [0], [0], [0, 0, 1, 0], [], []>, transpose_lhs_hint = false} : vector<256x1024xf32>, vector<16x1024xf32>, vector<256x16xf32> -> vector<256x16xf32>
    %get3A_7 = arith.constant 0 : index
    %get3A_8 = arith.constant 0 : index
    %get3A_9 = vector.load %arg3[%get3A_7, %get3A_8] : memref<1x16xf32, #tpu.memory_space<vmem>>, vector<1x16xf32>
    %add3A = vector.broadcast %get3A_9 : vector<1x16xf32> to vector<256x16xf32>
    %add3A_10 = arith.addf %dot_general3A_6, %add3A : vector<256x16xf32>
    %logistic3A = arith.negf %add3A_10 : vector<256x16xf32>
    %logistic3A_11 = math.exp %logistic3A : vector<256x16xf32>
    %logistic3A_12 = arith.constant 1.000000e+00 : f32
    %logistic3A_13 = vector.broadcast %logistic3A_12 : f32 to vector<256x16xf32>
    %logistic3A_14 = arith.addf %logistic3A_13, %logistic3A_11 : vector<256x16xf32>
    %logistic3A_15 = arith.divf %logistic3A_13, %logistic3A_14 : vector<256x16xf32>
    %mul3A_16 = arith.mulf %add3A_10, %logistic3A_15 : vector<256x16xf32>
    %slice3A = vector.extract_strided_slice %mul3A_16 {offsets = [0, 0], sizes = [256, 8], strides = [1, 1]} : vector<256x16xf32> to vector<256x8xf32>
    %logistic3A_17 = arith.negf %slice3A : vector<256x8xf32>
    %logistic3A_18 = math.exp %logistic3A_17 : vector<256x8xf32>
    %logistic3A_19 = arith.constant 1.000000e+00 : f32
    %logistic3A_20 = vector.broadcast %logistic3A_19 : f32 to vector<256x8xf32>
    %logistic3A_21 = arith.addf %logistic3A_20, %logistic3A_18 : vector<256x8xf32>
    %logistic3A_22 = arith.divf %logistic3A_20, %logistic3A_21 : vector<256x8xf32>
    %mul3A_23 = arith.constant 1.500000e+01 : f32
    %mul3A_24 = vector.broadcast %mul3A_23 : f32 to vector<256x8xf32>
    %mul3A_25 = arith.mulf %logistic3A_22, %mul3A_24 : vector<256x8xf32>
    %add3A_26 = arith.constant 1.000000e+00 : f32
    %add3A_27 = vector.broadcast %add3A_26 : f32 to vector<256x8xf32>
    %add3A_28 = arith.addf %mul3A_25, %add3A_27 : vector<256x8xf32>
    %slice3A_29 = vector.extract_strided_slice %mul3A_16 {offsets = [0, 8], sizes = [256, 8], strides = [1, 1]} : vector<256x16xf32> to vector<256x8xf32>
    %tanh3A = math.tanh %slice3A_29 : vector<256x8xf32>
    %mul3A_30 = arith.constant 1.600000e+01 : f32
    %mul3A_31 = vector.broadcast %mul3A_30 : f32 to vector<256x8xf32>
    %mul3A_32 = arith.mulf %tanh3A, %mul3A_31 : vector<256x8xf32>
    %get3A_33 = arith.constant 0 : index
    %get3A_34 = arith.constant 0 : index
    %get3A_35 = vector.load %arg4[%get3A_33, %get3A_34] : memref<264x1024xf32, #tpu.memory_space<vmem>>, vector<264x1024xf32>
    %dot_general3A_36 = arith.constant dense<0.000000e+00> : vector<256x264xf32>
    %dot_general3A_37 = tpu.matmul %get3A_2, %get3A_35, %dot_general3A_36 {dimension_numbers = #tpu.dot_dimension_numbers<[1], [1], [0], [0], [0, 0, 1, 0], [], []>, transpose_lhs_hint = false} : vector<256x1024xf32>, vector<264x1024xf32>, vector<256x264xf32> -> vector<256x264xf32>
    %get3A_38 = arith.constant 0 : index
    %get3A_39 = arith.constant 0 : index
    %get3A_40 = vector.load %arg5[%get3A_38, %get3A_39] : memref<1x264xf32, #tpu.memory_space<vmem>>, vector<1x264xf32>
    %add3A_41 = vector.broadcast %get3A_40 : vector<1x264xf32> to vector<256x264xf32>
    %add3A_42 = arith.addf %dot_general3A_37, %add3A_41 : vector<256x264xf32>
    %logistic3A_43 = arith.negf %add3A_42 : vector<256x264xf32>
    %logistic3A_44 = math.exp %logistic3A_43 : vector<256x264xf32>
    %logistic3A_45 = arith.constant 1.000000e+00 : f32
    %logistic3A_46 = vector.broadcast %logistic3A_45 : f32 to vector<256x264xf32>
    %logistic3A_47 = arith.addf %logistic3A_46, %logistic3A_44 : vector<256x264xf32>
    %logistic3A_48 = arith.divf %logistic3A_46, %logistic3A_47 : vector<256x264xf32>
    %mul3A_49 = arith.mulf %add3A_42, %logistic3A_48 : vector<256x264xf32>
    %iota3A = tpu.iota {dimensions = array<i32: 1>} : vector<256x33xi32>
    %convert_element_type3A = arith.sitofp %iota3A : vector<256x33xi32> to vector<256x33xf32>
    %sub3A = arith.constant 1.600000e+01 : f32
    %sub3A_50 = vector.broadcast %sub3A : f32 to vector<256x33xf32>
    %sub3A_51 = arith.subf %convert_element_type3A, %sub3A_50 : vector<256x33xf32>
    %iota3A_52 = tpu.iota {dimensions = array<i32: 0>} : vector<256x33xi32>
    %add3A_53 = vector.broadcast %mul3A_0 : i32 to vector<256x33xi32>
    %add3A_54 = arith.addi %iota3A_52, %add3A_53 : vector<256x33xi32>
    %convert_element_type3A_55 = arith.sitofp %add3A_54 : vector<256x33xi32> to vector<256x33xf32>
    %jit3A = arith.constant 128 : i32
    %div3A = vector.broadcast %jit3A : i32 to vector<256x33xi32>
    %div3A_56 = arith.divsi %add3A_54, %div3A : vector<256x33xi32>
    %sign3A = arith.constant 0 : i32
    %sign3A_57 = vector.broadcast %sign3A : i32 to vector<256x33xi32>
    %sign3A_58 = arith.cmpi sgt, %add3A_54, %sign3A_57 : vector<256x33xi32>
    %sign3A_59 = arith.extui %sign3A_58 : vector<256x33xi1> to vector<256x33xi32>
    %sign3A_60 = arith.constant 0 : i32
    %sign3A_61 = vector.broadcast %sign3A_60 : i32 to vector<256x33xi32>
    %sign3A_62 = arith.cmpi slt, %add3A_54, %sign3A_61 : vector<256x33xi32>
    %sign3A_63 = arith.extui %sign3A_62 : vector<256x33xi1> to vector<256x33xi32>
    %sign3A_64 = arith.subi %sign3A_59, %sign3A_63 : vector<256x33xi32>
    %sign3A_65 = arith.constant 0 : i32
    %sign3A_66 = arith.cmpi sgt, %jit3A, %sign3A_65 : i32
    %sign3A_67 = arith.extui %sign3A_66 : i1 to i32
    %sign3A_68 = arith.constant 0 : i32
    %sign3A_69 = arith.cmpi slt, %jit3A, %sign3A_68 : i32
    %sign3A_70 = arith.extui %sign3A_69 : i1 to i32
    %sign3A_71 = arith.subi %sign3A_67, %sign3A_70 : i32
    %ne3A = vector.broadcast %sign3A_71 : i32 to vector<256x33xi32>
    %ne3A_72 = arith.cmpi ne, %sign3A_64, %ne3A : vector<256x33xi32>
    %rem3A = vector.broadcast %jit3A : i32 to vector<256x33xi32>
    %rem3A_73 = arith.remsi %add3A_54, %rem3A : vector<256x33xi32>
    %ne3A_74 = arith.constant 0 : i32
    %ne3A_75 = vector.broadcast %ne3A_74 : i32 to vector<256x33xi32>
    %ne3A_76 = arith.cmpi ne, %rem3A_73, %ne3A_75 : vector<256x33xi32>
    %and3A = arith.andi %ne3A_72, %ne3A_76 : vector<256x33xi1>
    %sub3A_77 = arith.constant 1 : i32
    %sub3A_78 = vector.broadcast %sub3A_77 : i32 to vector<256x33xi32>
    %sub3A_79 = arith.subi %div3A_56, %sub3A_78 : vector<256x33xi32>
    %select_n3A = arith.select %and3A, %sub3A_79, %div3A_56 : vector<256x33xi1>, vector<256x33xi32>
    %mul3A_80 = arith.constant 128 : i32
    %mul3A_81 = vector.broadcast %mul3A_80 : i32 to vector<256x33xi32>
    %mul3A_82 = arith.muli %select_n3A, %mul3A_81 : vector<256x33xi32>
    %sub3A_83 = arith.constant 264 : i32
    %sub3A_84 = vector.broadcast %sub3A_83 : i32 to vector<256x33xi32>
    %sub3A_85 = arith.subi %mul3A_82, %sub3A_84 : vector<256x33xi32>
    %jit3A_86 = arith.constant 0 : i32
    %jit3A_87 = arith.constant 1392 : i32
    %max3A = vector.broadcast %jit3A_86 : i32 to vector<256x33xi32>
    %max3A_88 = arith.maxsi %max3A, %sub3A_85 : vector<256x33xi32>
    %min3A = vector.broadcast %jit3A_87 : i32 to vector<256x33xi32>
    %min3A_89 = arith.minsi %min3A, %max3A_88 : vector<256x33xi32>
    %broadcast_in_dim3A = arith.constant 0 : i32
    %broadcast_in_dim3A_90 = vector.broadcast %broadcast_in_dim3A : i32 to vector<256x7xi32>
    %broadcast_in_dim3A_91 = arith.constant 0.000000e+00 : f32
    %broadcast_in_dim3A_92 = vector.broadcast %broadcast_in_dim3A_91 : f32 to vector<256x7xf32>
    %iota3A_93 = tpu.iota {dimensions = array<i32: 0>} : vector<8x33xi32>
    %eq3A = arith.constant 0 : i32
    %eq3A_94 = vector.broadcast %eq3A : i32 to vector<8x33xi32>
    %eq3A_95 = arith.cmpi eq, %iota3A_93, %eq3A_94 : vector<8x33xi32>
    %convert_element_type3A_96 = arith.extui %eq3A_95 : vector<8x33xi1> to vector<8x33xi32>
    %convert_element_type3A_97 = arith.sitofp %convert_element_type3A_96 : vector<8x33xi32> to vector<8x33xf32>
    %dot_general3A_98 = arith.constant dense<0.000000e+00> : vector<256x33xf32>
    %dot_general3A_99 = tpu.matmul %add3A_28, %convert_element_type3A_97, %dot_general3A_98 {dimension_numbers = #tpu.dot_dimension_numbers<[1], [0], [0], [1], [0, 0, 1, 1], [], []>, precision = #tpu.contract_precision<fp32>, transpose_lhs_hint = false} : vector<256x8xf32>, vector<8x33xf32>, vector<256x33xf32> -> vector<256x33xf32>
    %dot_general3A_100 = arith.constant dense<0.000000e+00> : vector<256x33xf32>
    %dot_general3A_101 = tpu.matmul %mul3A_32, %convert_element_type3A_97, %dot_general3A_100 {dimension_numbers = #tpu.dot_dimension_numbers<[1], [0], [0], [1], [0, 0, 1, 1], [], []>, precision = #tpu.contract_precision<fp32>, transpose_lhs_hint = false} : vector<256x8xf32>, vector<8x33xf32>, vector<256x33xf32> -> vector<256x33xf32>
    %slice3A_102 = vector.extract_strided_slice %mul3A_49 {offsets = [0, 0], sizes = [256, 33], strides = [1, 1]} : vector<256x264xf32> to vector<256x33xf32>
    %mul3A_103 = arith.mulf %sub3A_51, %dot_general3A_99 : vector<256x33xf32>
    %add3A_104 = arith.addf %mul3A_103, %dot_general3A_101 : vector<256x33xf32>
    %jit3A_105 = arith.constant -2.560000e+02 : f32
    %jit3A_106 = arith.constant 2.560000e+02 : f32
    %max3A_107 = vector.broadcast %jit3A_105 : f32 to vector<256x33xf32>
    %max3A_108 = arith.maximumf %max3A_107, %add3A_104 : vector<256x33xf32>
    %min3A_109 = vector.broadcast %jit3A_106 : f32 to vector<256x33xf32>
    %min3A_110 = arith.minimumf %min3A_109, %max3A_108 : vector<256x33xf32>
    %add3A_111 = arith.addf %convert_element_type3A_55, %min3A_110 : vector<256x33xf32>
    %jit3A_112 = arith.constant 0.000000e+00 : f32
    %jit3A_113 = arith.constant 2.047000e+03 : f32
    %max3A_114 = vector.broadcast %jit3A_112 : f32 to vector<256x33xf32>
    %max3A_115 = arith.maximumf %max3A_114, %add3A_111 : vector<256x33xf32>
    %min3A_116 = vector.broadcast %jit3A_113 : f32 to vector<256x33xf32>
    %min3A_117 = arith.minimumf %min3A_116, %max3A_115 : vector<256x33xf32>
    %floor3A = math.floor %min3A_117 : vector<256x33xf32>
    %sub3A_118 = arith.subf %min3A_117, %floor3A : vector<256x33xf32>
    %convert_element_type3A_119 = arith.fptosi %floor3A : vector<256x33xf32> to vector<256x33xi32>
    %sub3A_120 = arith.subi %convert_element_type3A_119, %min3A_89 : vector<256x33xi32>
    %concatenate3A = tpu.concatenate %sub3A_120, %broadcast_in_dim3A_90 in 1 : vector<256x33xi32>, vector<256x7xi32> -> vector<256x40xi32>
    %swap3A = arith.constant 0 : index
    %swap3A_121 = arith.constant 0 : index
    %swap3A_122 = arith.constant 0 : index
    %swap3A_123 = vector.load %arg6[%swap3A, %swap3A_121, %swap3A_122] : memref<8x256x40xi32, #tpu.memory_space<vmem>>, vector<1x256x40xi32>
    %swap3A_124 = vector.shape_cast %swap3A_123 : vector<1x256x40xi32> to vector<256x40xi32>
    %swap3A_125 = vector.shape_cast %concatenate3A : vector<256x40xi32> to vector<1x256x40xi32>
    tpu.vector_store %arg6[%swap3A, %swap3A_121, %swap3A_122], %swap3A_125 {strides = array<i32>} : memref<8x256x40xi32, #tpu.memory_space<vmem>>, vector<1x256x40xi32>,
    %sub3A_126 = arith.constant 1.000000e+00 : f32
    %sub3A_127 = vector.broadcast %sub3A_126 : f32 to vector<256x33xf32>
    %sub3A_128 = arith.subf %sub3A_127, %sub3A_118 : vector<256x33xf32>
    %mul3A_129 = arith.mulf %slice3A_102, %sub3A_128 : vector<256x33xf32>
    %concatenate3A_130 = tpu.concatenate %mul3A_129, %broadcast_in_dim3A_92 in 1 : vector<256x33xf32>, vector<256x7xf32> -> vector<256x40xf32>
    %swap3A_131 = arith.constant 0 : index
    %swap3A_132 = arith.constant 0 : index
    %swap3A_133 = arith.constant 0 : index
    %swap3A_134 = vector.load %arg7[%swap3A_131, %swap3A_132, %swap3A_133] : memref<8x256x40xf32, #tpu.memory_space<vmem>>, vector<1x256x40xf32>
    %swap3A_135 = vector.shape_cast %swap3A_134 : vector<1x256x40xf32> to vector<256x40xf32>
    %swap3A_136 = vector.shape_cast %concatenate3A_130 : vector<256x40xf32> to vector<1x256x40xf32>
    tpu.vector_store %arg7[%swap3A_131, %swap3A_132, %swap3A_133], %swap3A_136 {strides = array<i32>} : memref<8x256x40xf32, #tpu.memory_space<vmem>>, vector<1x256x40xf32>,
    %mul3A_137 = arith.mulf %slice3A_102, %sub3A_118 : vector<256x33xf32>
    %concatenate3A_138 = tpu.concatenate %mul3A_137, %broadcast_in_dim3A_92 in 1 : vector<256x33xf32>, vector<256x7xf32> -> vector<256x40xf32>
    %swap3A_139 = arith.constant 0 : index
    %swap3A_140 = arith.constant 0 : index
    %swap3A_141 = arith.constant 0 : index
    %swap3A_142 = vector.load %arg8[%swap3A_139, %swap3A_140, %swap3A_141] : memref<8x256x40xf32, #tpu.memory_space<vmem>>, vector<1x256x40xf32>
    %swap3A_143 = vector.shape_cast %swap3A_142 : vector<1x256x40xf32> to vector<256x40xf32>
    %swap3A_144 = vector.shape_cast %concatenate3A_138 : vector<256x40xf32> to vector<1x256x40xf32>
    tpu.vector_store %arg8[%swap3A_139, %swap3A_140, %swap3A_141], %swap3A_144 {strides = array<i32>} : memref<8x256x40xf32, #tpu.memory_space<vmem>>, vector<1x256x40xf32>,
    %iota3A_145 = tpu.iota {dimensions = array<i32: 0>} : vector<8x33xi32>
    %eq3A_146 = arith.constant 1 : i32
    %eq3A_147 = vector.broadcast %eq3A_146 : i32 to vector<8x33xi32>
    %eq3A_148 = arith.cmpi eq, %iota3A_145, %eq3A_147 : vector<8x33xi32>
    %convert_element_type3A_149 = arith.extui %eq3A_148 : vector<8x33xi1> to vector<8x33xi32>
    %convert_element_type3A_150 = arith.sitofp %convert_element_type3A_149 : vector<8x33xi32> to vector<8x33xf32>
    %dot_general3A_151 = arith.constant dense<0.000000e+00> : vector<256x33xf32>
    %dot_general3A_152 = tpu.matmul %add3A_28, %convert_element_type3A_150, %dot_general3A_151 {dimension_numbers = #tpu.dot_dimension_numbers<[1], [0], [0], [1], [0, 0, 1, 1], [], []>, precision = #tpu.contract_precision<fp32>, transpose_lhs_hint = false} : vector<256x8xf32>, vector<8x33xf32>, vector<256x33xf32> -> vector<256x33xf32>
    %dot_general3A_153 = arith.constant dense<0.000000e+00> : vector<256x33xf32>
    %dot_general3A_154 = tpu.matmul %mul3A_32, %convert_element_type3A_150, %dot_general3A_153 {dimension_numbers = #tpu.dot_dimension_numbers<[1], [0], [0], [1], [0, 0, 1, 1], [], []>, precision = #tpu.contract_precision<fp32>, transpose_lhs_hint = false} : vector<256x8xf32>, vector<8x33xf32>, vector<256x33xf32> -> vector<256x33xf32>
    %slice3A_155 = vector.extract_strided_slice %mul3A_49 {offsets = [0, 33], sizes = [256, 33], strides = [1, 1]} : vector<256x264xf32> to vector<256x33xf32>
    %mul3A_156 = arith.mulf %sub3A_51, %dot_general3A_152 : vector<256x33xf32>
    %add3A_157 = arith.addf %mul3A_156, %dot_general3A_154 : vector<256x33xf32>
    %jit3A_158 = arith.constant -2.560000e+02 : f32
    %jit3A_159 = arith.constant 2.560000e+02 : f32
    %max3A_160 = vector.broadcast %jit3A_158 : f32 to vector<256x33xf32>
    %max3A_161 = arith.maximumf %max3A_160, %add3A_157 : vector<256x33xf32>
    %min3A_162 = vector.broadcast %jit3A_159 : f32 to vector<256x33xf32>
    %min3A_163 = arith.minimumf %min3A_162, %max3A_161 : vector<256x33xf32>
    %add3A_164 = arith.addf %convert_element_type3A_55, %min3A_163 : vector<256x33xf32>
    %jit3A_165 = arith.constant 0.000000e+00 : f32
    %jit3A_166 = arith.constant 2.047000e+03 : f32
    %max3A_167 = vector.broadcast %jit3A_165 : f32 to vector<256x33xf32>
    %max3A_168 = arith.maximumf %max3A_167, %add3A_164 : vector<256x33xf32>
    %min3A_169 = vector.broadcast %jit3A_166 : f32 to vector<256x33xf32>
    %min3A_170 = arith.minimumf %min3A_169, %max3A_168 : vector<256x33xf32>
    %floor3A_171 = math.floor %min3A_170 : vector<256x33xf32>
    %sub3A_172 = arith.subf %min3A_170, %floor3A_171 : vector<256x33xf32>
    %convert_element_type3A_173 = arith.fptosi %floor3A_171 : vector<256x33xf32> to vector<256x33xi32>
    %sub3A_174 = arith.subi %convert_element_type3A_173, %min3A_89 : vector<256x33xi32>
    %concatenate3A_175 = tpu.concatenate %sub3A_174, %broadcast_in_dim3A_90 in 1 : vector<256x33xi32>, vector<256x7xi32> -> vector<256x40xi32>
    %swap3A_176 = arith.constant 1 : index
    %swap3A_177 = arith.constant 0 : index
    %swap3A_178 = arith.constant 0 : index
    %swap3A_179 = vector.load %arg6[%swap3A_176, %swap3A_177, %swap3A_178] : memref<8x256x40xi32, #tpu.memory_space<vmem>>, vector<1x256x40xi32>
    %swap3A_180 = vector.shape_cast %swap3A_179 : vector<1x256x40xi32> to vector<256x40xi32>
    %swap3A_181 = vector.shape_cast %concatenate3A_175 : vector<256x40xi32> to vector<1x256x40xi32>
    tpu.vector_store %arg6[%swap3A_176, %swap3A_177, %swap3A_178], %swap3A_181 {strides = array<i32>} : memref<8x256x40xi32, #tpu.memory_space<vmem>>, vector<1x256x40xi32>,
    %sub3A_182 = arith.constant 1.000000e+00 : f32
    %sub3A_183 = vector.broadcast %sub3A_182 : f32 to vector<256x33xf32>
    %sub3A_184 = arith.subf %sub3A_183, %sub3A_172 : vector<256x33xf32>
    %mul3A_185 = arith.mulf %slice3A_155, %sub3A_184 : vector<256x33xf32>
    %concatenate3A_186 = tpu.concatenate %mul3A_185, %broadcast_in_dim3A_92 in 1 : vector<256x33xf32>, vector<256x7xf32> -> vector<256x40xf32>
    %swap3A_187 = arith.constant 1 : index
    %swap3A_188 = arith.constant 0 : index
    %swap3A_189 = arith.constant 0 : index
    %swap3A_190 = vector.load %arg7[%swap3A_187, %swap3A_188, %swap3A_189] : memref<8x256x40xf32, #tpu.memory_space<vmem>>, vector<1x256x40xf32>
    %swap3A_191 = vector.shape_cast %swap3A_190 : vector<1x256x40xf32> to vector<256x40xf32>
    %swap3A_192 = vector.shape_cast %concatenate3A_186 : vector<256x40xf32> to vector<1x256x40xf32>
    tpu.vector_store %arg7[%swap3A_187, %swap3A_188, %swap3A_189], %swap3A_192 {strides = array<i32>} : memref<8x256x40xf32, #tpu.memory_space<vmem>>, vector<1x256x40xf32>,
    %mul3A_193 = arith.mulf %slice3A_155, %sub3A_172 : vector<256x33xf32>
    %concatenate3A_194 = tpu.concatenate %mul3A_193, %broadcast_in_dim3A_92 in 1 : vector<256x33xf32>, vector<256x7xf32> -> vector<256x40xf32>
    %swap3A_195 = arith.constant 1 : index
    %swap3A_196 = arith.constant 0 : index
    %swap3A_197 = arith.constant 0 : index
    %swap3A_198 = vector.load %arg8[%swap3A_195, %swap3A_196, %swap3A_197] : memref<8x256x40xf32, #tpu.memory_space<vmem>>, vector<1x256x40xf32>
    %swap3A_199 = vector.shape_cast %swap3A_198 : vector<1x256x40xf32> to vector<256x40xf32>
    %swap3A_200 = vector.shape_cast %concatenate3A_194 : vector<256x40xf32> to vector<1x256x40xf32>
    tpu.vector_store %arg8[%swap3A_195, %swap3A_196, %swap3A_197], %swap3A_200 {strides = array<i32>} : memref<8x256x40xf32, #tpu.memory_space<vmem>>, vector<1x256x40xf32>,
    %iota3A_201 = tpu.iota {dimensions = array<i32: 0>} : vector<8x33xi32>
    %eq3A_202 = arith.constant 2 : i32
    %eq3A_203 = vector.broadcast %eq3A_202 : i32 to vector<8x33xi32>
    %eq3A_204 = arith.cmpi eq, %iota3A_201, %eq3A_203 : vector<8x33xi32>
    %convert_element_type3A_205 = arith.extui %eq3A_204 : vector<8x33xi1> to vector<8x33xi32>
    %convert_element_type3A_206 = arith.sitofp %convert_element_type3A_205 : vector<8x33xi32> to vector<8x33xf32>
    %dot_general3A_207 = arith.constant dense<0.000000e+00> : vector<256x33xf32>
    %dot_general3A_208 = tpu.matmul %add3A_28, %convert_element_type3A_206, %dot_general3A_207 {dimension_numbers = #tpu.dot_dimension_numbers<[1], [0], [0], [1], [0, 0, 1, 1], [], []>, precision = #tpu.contract_precision<fp32>, transpose_lhs_hint = false} : vector<256x8xf32>, vector<8x33xf32>, vector<256x33xf32> -> vector<256x33xf32>
    %dot_general3A_209 = arith.constant dense<0.000000e+00> : vector<256x33xf32>
    %dot_general3A_210 = tpu.matmul %mul3A_32, %convert_element_type3A_206, %dot_general3A_209 {dimension_numbers = #tpu.dot_dimension_numbers<[1], [0], [0], [1], [0, 0, 1, 1], [], []>, precision = #tpu.contract_precision<fp32>, transpose_lhs_hint = false} : vector<256x8xf32>, vector<8x33xf32>, vector<256x33xf32> -> vector<256x33xf32>
    %slice3A_211 = vector.extract_strided_slice %mul3A_49 {offsets = [0, 66], sizes = [256, 33], strides = [1, 1]} : vector<256x264xf32> to vector<256x33xf32>
    %mul3A_212 = arith.mulf %sub3A_51, %dot_general3A_208 : vector<256x33xf32>
    %add3A_213 = arith.addf %mul3A_212, %dot_general3A_210 : vector<256x33xf32>
    %jit3A_214 = arith.constant -2.560000e+02 : f32
    %jit3A_215 = arith.constant 2.560000e+02 : f32
    %max3A_216 = vector.broadcast %jit3A_214 : f32 to vector<256x33xf32>
    %max3A_217 = arith.maximumf %max3A_216, %add3A_213 : vector<256x33xf32>
    %min3A_218 = vector.broadcast %jit3A_215 : f32 to vector<256x33xf32>
    %min3A_219 = arith.minimumf %min3A_218, %max3A_217 : vector<256x33xf32>
    %add3A_220 = arith.addf %convert_element_type3A_55, %min3A_219 : vector<256x33xf32>
    %jit3A_221 = arith.constant 0.000000e+00 : f32
    %jit3A_222 = arith.constant 2.047000e+03 : f32
    %max3A_223 = vector.broadcast %jit3A_221 : f32 to vector<256x33xf32>
    %max3A_224 = arith.maximumf %max3A_223, %add3A_220 : vector<256x33xf32>
    %min3A_225 = vector.broadcast %jit3A_222 : f32 to vector<256x33xf32>
    %min3A_226 = arith.minimumf %min3A_225, %max3A_224 : vector<256x33xf32>
    %floor3A_227 = math.floor %min3A_226 : vector<256x33xf32>
    %sub3A_228 = arith.subf %min3A_226, %floor3A_227 : vector<256x33xf32>
    %convert_element_type3A_229 = arith.fptosi %floor3A_227 : vector<256x33xf32> to vector<256x33xi32>
    %sub3A_230 = arith.subi %convert_element_type3A_229, %min3A_89 : vector<256x33xi32>
    %concatenate3A_231 = tpu.concatenate %sub3A_230, %broadcast_in_dim3A_90 in 1 : vector<256x33xi32>, vector<256x7xi32> -> vector<256x40xi32>
    %swap3A_232 = arith.constant 2 : index
    %swap3A_233 = arith.constant 0 : index
    %swap3A_234 = arith.constant 0 : index
    %swap3A_235 = vector.load %arg6[%swap3A_232, %swap3A_233, %swap3A_234] : memref<8x256x40xi32, #tpu.memory_space<vmem>>, vector<1x256x40xi32>
    %swap3A_236 = vector.shape_cast %swap3A_235 : vector<1x256x40xi32> to vector<256x40xi32>
    %swap3A_237 = vector.shape_cast %concatenate3A_231 : vector<256x40xi32> to vector<1x256x40xi32>
    tpu.vector_store %arg6[%swap3A_232, %swap3A_233, %swap3A_234], %swap3A_237 {strides = array<i32>} : memref<8x256x40xi32, #tpu.memory_space<vmem>>, vector<1x256x40xi32>,
    %sub3A_238 = arith.constant 1.000000e+00 : f32
    %sub3A_239 = vector.broadcast %sub3A_238 : f32 to vector<256x33xf32>
    %sub3A_240 = arith.subf %sub3A_239, %sub3A_228 : vector<256x33xf32>
    %mul3A_241 = arith.mulf %slice3A_211, %sub3A_240 : vector<256x33xf32>
    %concatenate3A_242 = tpu.concatenate %mul3A_241, %broadcast_in_dim3A_92 in 1 : vector<256x33xf32>, vector<256x7xf32> -> vector<256x40xf32>
    %swap3A_243 = arith.constant 2 : index
    %swap3A_244 = arith.constant 0 : index
    %swap3A_245 = arith.constant 0 : index
    %swap3A_246 = vector.load %arg7[%swap3A_243, %swap3A_244, %swap3A_245] : memref<8x256x40xf32, #tpu.memory_space<vmem>>, vector<1x256x40xf32>
    %swap3A_247 = vector.shape_cast %swap3A_246 : vector<1x256x40xf32> to vector<256x40xf32>
    %swap3A_248 = vector.shape_cast %concatenate3A_242 : vector<256x40xf32> to vector<1x256x40xf32>
    tpu.vector_store %arg7[%swap3A_243, %swap3A_244, %swap3A_245], %swap3A_248 {strides = array<i32>} : memref<8x256x40xf32, #tpu.memory_space<vmem>>, vector<1x256x40xf32>,
    %mul3A_249 = arith.mulf %slice3A_211, %sub3A_228 : vector<256x33xf32>
    %concatenate3A_250 = tpu.concatenate %mul3A_249, %broadcast_in_dim3A_92 in 1 : vector<256x33xf32>, vector<256x7xf32> -> vector<256x40xf32>
    %swap3A_251 = arith.constant 2 : index
    %swap3A_252 = arith.constant 0 : index
    %swap3A_253 = arith.constant 0 : index
    %swap3A_254 = vector.load %arg8[%swap3A_251, %swap3A_252, %swap3A_253] : memref<8x256x40xf32, #tpu.memory_space<vmem>>, vector<1x256x40xf32>
    %swap3A_255 = vector.shape_cast %swap3A_254 : vector<1x256x40xf32> to vector<256x40xf32>
    %swap3A_256 = vector.shape_cast %concatenate3A_250 : vector<256x40xf32> to vector<1x256x40xf32>
    tpu.vector_store %arg8[%swap3A_251, %swap3A_252, %swap3A_253], %swap3A_256 {strides = array<i32>} : memref<8x256x40xf32, #tpu.memory_space<vmem>>, vector<1x256x40xf32>,
    %iota3A_257 = tpu.iota {dimensions = array<i32: 0>} : vector<8x33xi32>
    %eq3A_258 = arith.constant 3 : i32
    %eq3A_259 = vector.broadcast %eq3A_258 : i32 to vector<8x33xi32>
    %eq3A_260 = arith.cmpi eq, %iota3A_257, %eq3A_259 : vector<8x33xi32>
    %convert_element_type3A_261 = arith.extui %eq3A_260 : vector<8x33xi1> to vector<8x33xi32>
    %convert_element_type3A_262 = arith.sitofp %convert_element_type3A_261 : vector<8x33xi32> to vector<8x33xf32>
    %dot_general3A_263 = arith.constant dense<0.000000e+00> : vector<256x33xf32>
    %dot_general3A_264 = tpu.matmul %add3A_28, %convert_element_type3A_262, %dot_general3A_263 {dimension_numbers = #tpu.dot_dimension_numbers<[1], [0], [0], [1], [0, 0, 1, 1], [], []>, precision = #tpu.contract_precision<fp32>, transpose_lhs_hint = false} : vector<256x8xf32>, vector<8x33xf32>, vector<256x33xf32> -> vector<256x33xf32>
    %dot_general3A_265 = arith.constant dense<0.000000e+00> : vector<256x33xf32>
    %dot_general3A_266 = tpu.matmul %mul3A_32, %convert_element_type3A_262, %dot_general3A_265 {dimension_numbers = #tpu.dot_dimension_numbers<[1], [0], [0], [1], [0, 0, 1, 1], [], []>, precision = #tpu.contract_precision<fp32>, transpose_lhs_hint = false} : vector<256x8xf32>, vector<8x33xf32>, vector<256x33xf32> -> vector<256x33xf32>
    %slice3A_267 = vector.extract_strided_slice %mul3A_49 {offsets = [0, 99], sizes = [256, 33], strides = [1, 1]} : vector<256x264xf32> to vector<256x33xf32>
    %mul3A_268 = arith.mulf %sub3A_51, %dot_general3A_264 : vector<256x33xf32>
    %add3A_269 = arith.addf %mul3A_268, %dot_general3A_266 : vector<256x33xf32>
    %jit3A_270 = arith.constant -2.560000e+02 : f32
    %jit3A_271 = arith.constant 2.560000e+02 : f32
    %max3A_272 = vector.broadcast %jit3A_270 : f32 to vector<256x33xf32>
    %max3A_273 = arith.maximumf %max3A_272, %add3A_269 : vector<256x33xf32>
    %min3A_274 = vector.broadcast %jit3A_271 : f32 to vector<256x33xf32>
    %min3A_275 = arith.minimumf %min3A_274, %max3A_273 : vector<256x33xf32>
    %add3A_276 = arith.addf %convert_element_type3A_55, %min3A_275 : vector<256x33xf32>
    %jit3A_277 = arith.constant 0.000000e+00 : f32
    %jit3A_278 = arith.constant 2.047000e+03 : f32
    %max3A_279 = vector.broadcast %jit3A_277 : f32 to vector<256x33xf32>
    %max3A_280 = arith.maximumf %max3A_279, %add3A_276 : vector<256x33xf32>
    %min3A_281 = vector.broadcast %jit3A_278 : f32 to vector<256x33xf32>
    %min3A_282 = arith.minimumf %min3A_281, %max3A_280 : vector<256x33xf32>
    %floor3A_283 = math.floor %min3A_282 : vector<256x33xf32>
    %sub3A_284 = arith.subf %min3A_282, %floor3A_283 : vector<256x33xf32>
    %convert_element_type3A_285 = arith.fptosi %floor3A_283 : vector<256x33xf32> to vector<256x33xi32>
    %sub3A_286 = arith.subi %convert_element_type3A_285, %min3A_89 : vector<256x33xi32>
    %concatenate3A_287 = tpu.concatenate %sub3A_286, %broadcast_in_dim3A_90 in 1 : vector<256x33xi32>, vector<256x7xi32> -> vector<256x40xi32>
    %swap3A_288 = arith.constant 3 : index
    %swap3A_289 = arith.constant 0 : index
    %swap3A_290 = arith.constant 0 : index
    %swap3A_291 = vector.load %arg6[%swap3A_288, %swap3A_289, %swap3A_290] : memref<8x256x40xi32, #tpu.memory_space<vmem>>, vector<1x256x40xi32>
    %swap3A_292 = vector.shape_cast %swap3A_291 : vector<1x256x40xi32> to vector<256x40xi32>
    %swap3A_293 = vector.shape_cast %concatenate3A_287 : vector<256x40xi32> to vector<1x256x40xi32>
    tpu.vector_store %arg6[%swap3A_288, %swap3A_289, %swap3A_290], %swap3A_293 {strides = array<i32>} : memref<8x256x40xi32, #tpu.memory_space<vmem>>, vector<1x256x40xi32>,
    %sub3A_294 = arith.constant 1.000000e+00 : f32
    %sub3A_295 = vector.broadcast %sub3A_294 : f32 to vector<256x33xf32>
    %sub3A_296 = arith.subf %sub3A_295, %sub3A_284 : vector<256x33xf32>
    %mul3A_297 = arith.mulf %slice3A_267, %sub3A_296 : vector<256x33xf32>
    %concatenate3A_298 = tpu.concatenate %mul3A_297, %broadcast_in_dim3A_92 in 1 : vector<256x33xf32>, vector<256x7xf32> -> vector<256x40xf32>
    %swap3A_299 = arith.constant 3 : index
    %swap3A_300 = arith.constant 0 : index
    %swap3A_301 = arith.constant 0 : index
    %swap3A_302 = vector.load %arg7[%swap3A_299, %swap3A_300, %swap3A_301] : memref<8x256x40xf32, #tpu.memory_space<vmem>>, vector<1x256x40xf32>
    %swap3A_303 = vector.shape_cast %swap3A_302 : vector<1x256x40xf32> to vector<256x40xf32>
    %swap3A_304 = vector.shape_cast %concatenate3A_298 : vector<256x40xf32> to vector<1x256x40xf32>
    tpu.vector_store %arg7[%swap3A_299, %swap3A_300, %swap3A_301], %swap3A_304 {strides = array<i32>} : memref<8x256x40xf32, #tpu.memory_space<vmem>>, vector<1x256x40xf32>,
    %mul3A_305 = arith.mulf %slice3A_267, %sub3A_284 : vector<256x33xf32>
    %concatenate3A_306 = tpu.concatenate %mul3A_305, %broadcast_in_dim3A_92 in 1 : vector<256x33xf32>, vector<256x7xf32> -> vector<256x40xf32>
    %swap3A_307 = arith.constant 3 : index
    %swap3A_308 = arith.constant 0 : index
    %swap3A_309 = arith.constant 0 : index
    %swap3A_310 = vector.load %arg8[%swap3A_307, %swap3A_308, %swap3A_309] : memref<8x256x40xf32, #tpu.memory_space<vmem>>, vector<1x256x40xf32>
    %swap3A_311 = vector.shape_cast %swap3A_310 : vector<1x256x40xf32> to vector<256x40xf32>
    %swap3A_312 = vector.shape_cast %concatenate3A_306 : vector<256x40xf32> to vector<1x256x40xf32>
    tpu.vector_store %arg8[%swap3A_307, %swap3A_308, %swap3A_309], %swap3A_312 {strides = array<i32>} : memref<8x256x40xf32, #tpu.memory_space<vmem>>, vector<1x256x40xf32>,
    %iota3A_313 = tpu.iota {dimensions = array<i32: 0>} : vector<8x33xi32>
    %eq3A_314 = arith.constant 4 : i32
    %eq3A_315 = vector.broadcast %eq3A_314 : i32 to vector<8x33xi32>
    %eq3A_316 = arith.cmpi eq, %iota3A_313, %eq3A_315 : vector<8x33xi32>
    %convert_element_type3A_317 = arith.extui %eq3A_316 : vector<8x33xi1> to vector<8x33xi32>
    %convert_element_type3A_318 = arith.sitofp %convert_element_type3A_317 : vector<8x33xi32> to vector<8x33xf32>
    %dot_general3A_319 = arith.constant dense<0.000000e+00> : vector<256x33xf32>
    %dot_general3A_320 = tpu.matmul %add3A_28, %convert_element_type3A_318, %dot_general3A_319 {dimension_numbers = #tpu.dot_dimension_numbers<[1], [0], [0], [1], [0, 0, 1, 1], [], []>, precision = #tpu.contract_precision<fp32>, transpose_lhs_hint = false} : vector<256x8xf32>, vector<8x33xf32>, vector<256x33xf32> -> vector<256x33xf32>
    %dot_general3A_321 = arith.constant dense<0.000000e+00> : vector<256x33xf32>
    %dot_general3A_322 = tpu.matmul %mul3A_32, %convert_element_type3A_318, %dot_general3A_321 {dimension_numbers = #tpu.dot_dimension_numbers<[1], [0], [0], [1], [0, 0, 1, 1], [], []>, precision = #tpu.contract_precision<fp32>, transpose_lhs_hint = false} : vector<256x8xf32>, vector<8x33xf32>, vector<256x33xf32> -> vector<256x33xf32>
    %slice3A_323 = vector.extract_strided_slice %mul3A_49 {offsets = [0, 132], sizes = [256, 33], strides = [1, 1]} : vector<256x264xf32> to vector<256x33xf32>
    %mul3A_324 = arith.mulf %sub3A_51, %dot_general3A_320 : vector<256x33xf32>
    %add3A_325 = arith.addf %mul3A_324, %dot_general3A_322 : vector<256x33xf32>
    %jit3A_326 = arith.constant -2.560000e+02 : f32
    %jit3A_327 = arith.constant 2.560000e+02 : f32
    %max3A_328 = vector.broadcast %jit3A_326 : f32 to vector<256x33xf32>
    %max3A_329 = arith.maximumf %max3A_328, %add3A_325 : vector<256x33xf32>
    %min3A_330 = vector.broadcast %jit3A_327 : f32 to vector<256x33xf32>
    %min3A_331 = arith.minimumf %min3A_330, %max3A_329 : vector<256x33xf32>
    %add3A_332 = arith.addf %convert_element_type3A_55, %min3A_331 : vector<256x33xf32>
    %jit3A_333 = arith.constant 0.000000e+00 : f32
    %jit3A_334 = arith.constant 2.047000e+03 : f32
    %max3A_335 = vector.broadcast %jit3A_333 : f32 to vector<256x33xf32>
    %max3A_336 = arith.maximumf %max3A_335, %add3A_332 : vector<256x33xf32>
    %min3A_337 = vector.broadcast %jit3A_334 : f32 to vector<256x33xf32>
    %min3A_338 = arith.minimumf %min3A_337, %max3A_336 : vector<256x33xf32>
    %floor3A_339 = math.floor %min3A_338 : vector<256x33xf32>
    %sub3A_340 = arith.subf %min3A_338, %floor3A_339 : vector<256x33xf32>
    %convert_element_type3A_341 = arith.fptosi %floor3A_339 : vector<256x33xf32> to vector<256x33xi32>
    %sub3A_342 = arith.subi %convert_element_type3A_341, %min3A_89 : vector<256x33xi32>
    %concatenate3A_343 = tpu.concatenate %sub3A_342, %broadcast_in_dim3A_90 in 1 : vector<256x33xi32>, vector<256x7xi32> -> vector<256x40xi32>
    %swap3A_344 = arith.constant 4 : index
    %swap3A_345 = arith.constant 0 : index
    %swap3A_346 = arith.constant 0 : index
    %swap3A_347 = vector.load %arg6[%swap3A_344, %swap3A_345, %swap3A_346] : memref<8x256x40xi32, #tpu.memory_space<vmem>>, vector<1x256x40xi32>
    %swap3A_348 = vector.shape_cast %swap3A_347 : vector<1x256x40xi32> to vector<256x40xi32>
    %swap3A_349 = vector.shape_cast %concatenate3A_343 : vector<256x40xi32> to vector<1x256x40xi32>
    tpu.vector_store %arg6[%swap3A_344, %swap3A_345, %swap3A_346], %swap3A_349 {strides = array<i32>} : memref<8x256x40xi32, #tpu.memory_space<vmem>>, vector<1x256x40xi32>,
    %sub3A_350 = arith.constant 1.000000e+00 : f32
    %sub3A_351 = vector.broadcast %sub3A_350 : f32 to vector<256x33xf32>
    %sub3A_352 = arith.subf %sub3A_351, %sub3A_340 : vector<256x33xf32>
    %mul3A_353 = arith.mulf %slice3A_323, %sub3A_352 : vector<256x33xf32>
    %concatenate3A_354 = tpu.concatenate %mul3A_353, %broadcast_in_dim3A_92 in 1 : vector<256x33xf32>, vector<256x7xf32> -> vector<256x40xf32>
    %swap3A_355 = arith.constant 4 : index
    %swap3A_356 = arith.constant 0 : index
    %swap3A_357 = arith.constant 0 : index
    %swap3A_358 = vector.load %arg7[%swap3A_355, %swap3A_356, %swap3A_357] : memref<8x256x40xf32, #tpu.memory_space<vmem>>, vector<1x256x40xf32>
    %swap3A_359 = vector.shape_cast %swap3A_358 : vector<1x256x40xf32> to vector<256x40xf32>
    %swap3A_360 = vector.shape_cast %concatenate3A_354 : vector<256x40xf32> to vector<1x256x40xf32>
    tpu.vector_store %arg7[%swap3A_355, %swap3A_356, %swap3A_357], %swap3A_360 {strides = array<i32>} : memref<8x256x40xf32, #tpu.memory_space<vmem>>, vector<1x256x40xf32>,
    %mul3A_361 = arith.mulf %slice3A_323, %sub3A_340 : vector<256x33xf32>
    %concatenate3A_362 = tpu.concatenate %mul3A_361, %broadcast_in_dim3A_92 in 1 : vector<256x33xf32>, vector<256x7xf32> -> vector<256x40xf32>
    %swap3A_363 = arith.constant 4 : index
    %swap3A_364 = arith.constant 0 : index
    %swap3A_365 = arith.constant 0 : index
    %swap3A_366 = vector.load %arg8[%swap3A_363, %swap3A_364, %swap3A_365] : memref<8x256x40xf32, #tpu.memory_space<vmem>>, vector<1x256x40xf32>
    %swap3A_367 = vector.shape_cast %swap3A_366 : vector<1x256x40xf32> to vector<256x40xf32>
    %swap3A_368 = vector.shape_cast %concatenate3A_362 : vector<256x40xf32> to vector<1x256x40xf32>
    tpu.vector_store %arg8[%swap3A_363, %swap3A_364, %swap3A_365], %swap3A_368 {strides = array<i32>} : memref<8x256x40xf32, #tpu.memory_space<vmem>>, vector<1x256x40xf32>,
    %iota3A_369 = tpu.iota {dimensions = array<i32: 0>} : vector<8x33xi32>
    %eq3A_370 = arith.constant 5 : i32
    %eq3A_371 = vector.broadcast %eq3A_370 : i32 to vector<8x33xi32>
    %eq3A_372 = arith.cmpi eq, %iota3A_369, %eq3A_371 : vector<8x33xi32>
    %convert_element_type3A_373 = arith.extui %eq3A_372 : vector<8x33xi1> to vector<8x33xi32>
    %convert_element_type3A_374 = arith.sitofp %convert_element_type3A_373 : vector<8x33xi32> to vector<8x33xf32>
    %dot_general3A_375 = arith.constant dense<0.000000e+00> : vector<256x33xf32>
    %dot_general3A_376 = tpu.matmul %add3A_28, %convert_element_type3A_374, %dot_general3A_375 {dimension_numbers = #tpu.dot_dimension_numbers<[1], [0], [0], [1], [0, 0, 1, 1], [], []>, precision = #tpu.contract_precision<fp32>, transpose_lhs_hint = false} : vector<256x8xf32>, vector<8x33xf32>, vector<256x33xf32> -> vector<256x33xf32>
    %dot_general3A_377 = arith.constant dense<0.000000e+00> : vector<256x33xf32>
    %dot_general3A_378 = tpu.matmul %mul3A_32, %convert_element_type3A_374, %dot_general3A_377 {dimension_numbers = #tpu.dot_dimension_numbers<[1], [0], [0], [1], [0, 0, 1, 1], [], []>, precision = #tpu.contract_precision<fp32>, transpose_lhs_hint = false} : vector<256x8xf32>, vector<8x33xf32>, vector<256x33xf32> -> vector<256x33xf32>
    %slice3A_379 = vector.extract_strided_slice %mul3A_49 {offsets = [0, 165], sizes = [256, 33], strides = [1, 1]} : vector<256x264xf32> to vector<256x33xf32>
    %mul3A_380 = arith.mulf %sub3A_51, %dot_general3A_376 : vector<256x33xf32>
    %add3A_381 = arith.addf %mul3A_380, %dot_general3A_378 : vector<256x33xf32>
    %jit3A_382 = arith.constant -2.560000e+02 : f32
    %jit3A_383 = arith.constant 2.560000e+02 : f32
    %max3A_384 = vector.broadcast %jit3A_382 : f32 to vector<256x33xf32>
    %max3A_385 = arith.maximumf %max3A_384, %add3A_381 : vector<256x33xf32>
    %min3A_386 = vector.broadcast %jit3A_383 : f32 to vector<256x33xf32>
    %min3A_387 = arith.minimumf %min3A_386, %max3A_385 : vector<256x33xf32>
    %add3A_388 = arith.addf %convert_element_type3A_55, %min3A_387 : vector<256x33xf32>
    %jit3A_389 = arith.constant 0.000000e+00 : f32
    %jit3A_390 = arith.constant 2.047000e+03 : f32
    %max3A_391 = vector.broadcast %jit3A_389 : f32 to vector<256x33xf32>
    %max3A_392 = arith.maximumf %max3A_391, %add3A_388 : vector<256x33xf32>
    %min3A_393 = vector.broadcast %jit3A_390 : f32 to vector<256x33xf32>
    %min3A_394 = arith.minimumf %min3A_393, %max3A_392 : vector<256x33xf32>
    %floor3A_395 = math.floor %min3A_394 : vector<256x33xf32>
    %sub3A_396 = arith.subf %min3A_394, %floor3A_395 : vector<256x33xf32>
    %convert_element_type3A_397 = arith.fptosi %floor3A_395 : vector<256x33xf32> to vector<256x33xi32>
    %sub3A_398 = arith.subi %convert_element_type3A_397, %min3A_89 : vector<256x33xi32>
    %concatenate3A_399 = tpu.concatenate %sub3A_398, %broadcast_in_dim3A_90 in 1 : vector<256x33xi32>, vector<256x7xi32> -> vector<256x40xi32>
    %swap3A_400 = arith.constant 5 : index
    %swap3A_401 = arith.constant 0 : index
    %swap3A_402 = arith.constant 0 : index
    %swap3A_403 = vector.load %arg6[%swap3A_400, %swap3A_401, %swap3A_402] : memref<8x256x40xi32, #tpu.memory_space<vmem>>, vector<1x256x40xi32>
    %swap3A_404 = vector.shape_cast %swap3A_403 : vector<1x256x40xi32> to vector<256x40xi32>
    %swap3A_405 = vector.shape_cast %concatenate3A_399 : vector<256x40xi32> to vector<1x256x40xi32>
    tpu.vector_store %arg6[%swap3A_400, %swap3A_401, %swap3A_402], %swap3A_405 {strides = array<i32>} : memref<8x256x40xi32, #tpu.memory_space<vmem>>, vector<1x256x40xi32>,
    %sub3A_406 = arith.constant 1.000000e+00 : f32
    %sub3A_407 = vector.broadcast %sub3A_406 : f32 to vector<256x33xf32>
    %sub3A_408 = arith.subf %sub3A_407, %sub3A_396 : vector<256x33xf32>
    %mul3A_409 = arith.mulf %slice3A_379, %sub3A_408 : vector<256x33xf32>
    %concatenate3A_410 = tpu.concatenate %mul3A_409, %broadcast_in_dim3A_92 in 1 : vector<256x33xf32>, vector<256x7xf32> -> vector<256x40xf32>
    %swap3A_411 = arith.constant 5 : index
    %swap3A_412 = arith.constant 0 : index
    %swap3A_413 = arith.constant 0 : index
    %swap3A_414 = vector.load %arg7[%swap3A_411, %swap3A_412, %swap3A_413] : memref<8x256x40xf32, #tpu.memory_space<vmem>>, vector<1x256x40xf32>
    %swap3A_415 = vector.shape_cast %swap3A_414 : vector<1x256x40xf32> to vector<256x40xf32>
    %swap3A_416 = vector.shape_cast %concatenate3A_410 : vector<256x40xf32> to vector<1x256x40xf32>
    tpu.vector_store %arg7[%swap3A_411, %swap3A_412, %swap3A_413], %swap3A_416 {strides = array<i32>} : memref<8x256x40xf32, #tpu.memory_space<vmem>>, vector<1x256x40xf32>,
    %mul3A_417 = arith.mulf %slice3A_379, %sub3A_396 : vector<256x33xf32>
    %concatenate3A_418 = tpu.concatenate %mul3A_417, %broadcast_in_dim3A_92 in 1 : vector<256x33xf32>, vector<256x7xf32> -> vector<256x40xf32>
    %swap3A_419 = arith.constant 5 : index
    %swap3A_420 = arith.constant 0 : index
    %swap3A_421 = arith.constant 0 : index
    %swap3A_422 = vector.load %arg8[%swap3A_419, %swap3A_420, %swap3A_421] : memref<8x256x40xf32, #tpu.memory_space<vmem>>, vector<1x256x40xf32>
    %swap3A_423 = vector.shape_cast %swap3A_422 : vector<1x256x40xf32> to vector<256x40xf32>
    %swap3A_424 = vector.shape_cast %concatenate3A_418 : vector<256x40xf32> to vector<1x256x40xf32>
    tpu.vector_store %arg8[%swap3A_419, %swap3A_420, %swap3A_421], %swap3A_424 {strides = array<i32>} : memref<8x256x40xf32, #tpu.memory_space<vmem>>, vector<1x256x40xf32>,
    %iota3A_425 = tpu.iota {dimensions = array<i32: 0>} : vector<8x33xi32>
    %eq3A_426 = arith.constant 6 : i32
    %eq3A_427 = vector.broadcast %eq3A_426 : i32 to vector<8x33xi32>
    %eq3A_428 = arith.cmpi eq, %iota3A_425, %eq3A_427 : vector<8x33xi32>
    %convert_element_type3A_429 = arith.extui %eq3A_428 : vector<8x33xi1> to vector<8x33xi32>
    %convert_element_type3A_430 = arith.sitofp %convert_element_type3A_429 : vector<8x33xi32> to vector<8x33xf32>
    %dot_general3A_431 = arith.constant dense<0.000000e+00> : vector<256x33xf32>
    %dot_general3A_432 = tpu.matmul %add3A_28, %convert_element_type3A_430, %dot_general3A_431 {dimension_numbers = #tpu.dot_dimension_numbers<[1], [0], [0], [1], [0, 0, 1, 1], [], []>, precision = #tpu.contract_precision<fp32>, transpose_lhs_hint = false} : vector<256x8xf32>, vector<8x33xf32>, vector<256x33xf32> -> vector<256x33xf32>
    %dot_general3A_433 = arith.constant dense<0.000000e+00> : vector<256x33xf32>
    %dot_general3A_434 = tpu.matmul %mul3A_32, %convert_element_type3A_430, %dot_general3A_433 {dimension_numbers = #tpu.dot_dimension_numbers<[1], [0], [0], [1], [0, 0, 1, 1], [], []>, precision = #tpu.contract_precision<fp32>, transpose_lhs_hint = false} : vector<256x8xf32>, vector<8x33xf32>, vector<256x33xf32> -> vector<256x33xf32>
    %slice3A_435 = vector.extract_strided_slice %mul3A_49 {offsets = [0, 198], sizes = [256, 33], strides = [1, 1]} : vector<256x264xf32> to vector<256x33xf32>
    %mul3A_436 = arith.mulf %sub3A_51, %dot_general3A_432 : vector<256x33xf32>
    %add3A_437 = arith.addf %mul3A_436, %dot_general3A_434 : vector<256x33xf32>
    %jit3A_438 = arith.constant -2.560000e+02 : f32
    %jit3A_439 = arith.constant 2.560000e+02 : f32
    %max3A_440 = vector.broadcast %jit3A_438 : f32 to vector<256x33xf32>
    %max3A_441 = arith.maximumf %max3A_440, %add3A_437 : vector<256x33xf32>
    %min3A_442 = vector.broadcast %jit3A_439 : f32 to vector<256x33xf32>
    %min3A_443 = arith.minimumf %min3A_442, %max3A_441 : vector<256x33xf32>
    %add3A_444 = arith.addf %convert_element_type3A_55, %min3A_443 : vector<256x33xf32>
    %jit3A_445 = arith.constant 0.000000e+00 : f32
    %jit3A_446 = arith.constant 2.047000e+03 : f32
    %max3A_447 = vector.broadcast %jit3A_445 : f32 to vector<256x33xf32>
    %max3A_448 = arith.maximumf %max3A_447, %add3A_444 : vector<256x33xf32>
    %min3A_449 = vector.broadcast %jit3A_446 : f32 to vector<256x33xf32>
    %min3A_450 = arith.minimumf %min3A_449, %max3A_448 : vector<256x33xf32>
    %floor3A_451 = math.floor %min3A_450 : vector<256x33xf32>
    %sub3A_452 = arith.subf %min3A_450, %floor3A_451 : vector<256x33xf32>
    %convert_element_type3A_453 = arith.fptosi %floor3A_451 : vector<256x33xf32> to vector<256x33xi32>
    %sub3A_454 = arith.subi %convert_element_type3A_453, %min3A_89 : vector<256x33xi32>
    %concatenate3A_455 = tpu.concatenate %sub3A_454, %broadcast_in_dim3A_90 in 1 : vector<256x33xi32>, vector<256x7xi32> -> vector<256x40xi32>
    %swap3A_456 = arith.constant 6 : index
    %swap3A_457 = arith.constant 0 : index
    %swap3A_458 = arith.constant 0 : index
    %swap3A_459 = vector.load %arg6[%swap3A_456, %swap3A_457, %swap3A_458] : memref<8x256x40xi32, #tpu.memory_space<vmem>>, vector<1x256x40xi32>
    %swap3A_460 = vector.shape_cast %swap3A_459 : vector<1x256x40xi32> to vector<256x40xi32>
    %swap3A_461 = vector.shape_cast %concatenate3A_455 : vector<256x40xi32> to vector<1x256x40xi32>
    tpu.vector_store %arg6[%swap3A_456, %swap3A_457, %swap3A_458], %swap3A_461 {strides = array<i32>} : memref<8x256x40xi32, #tpu.memory_space<vmem>>, vector<1x256x40xi32>,
    %sub3A_462 = arith.constant 1.000000e+00 : f32
    %sub3A_463 = vector.broadcast %sub3A_462 : f32 to vector<256x33xf32>
    %sub3A_464 = arith.subf %sub3A_463, %sub3A_452 : vector<256x33xf32>
    %mul3A_465 = arith.mulf %slice3A_435, %sub3A_464 : vector<256x33xf32>
    %concatenate3A_466 = tpu.concatenate %mul3A_465, %broadcast_in_dim3A_92 in 1 : vector<256x33xf32>, vector<256x7xf32> -> vector<256x40xf32>
    %swap3A_467 = arith.constant 6 : index
    %swap3A_468 = arith.constant 0 : index
    %swap3A_469 = arith.constant 0 : index
    %swap3A_470 = vector.load %arg7[%swap3A_467, %swap3A_468, %swap3A_469] : memref<8x256x40xf32, #tpu.memory_space<vmem>>, vector<1x256x40xf32>
    %swap3A_471 = vector.shape_cast %swap3A_470 : vector<1x256x40xf32> to vector<256x40xf32>
    %swap3A_472 = vector.shape_cast %concatenate3A_466 : vector<256x40xf32> to vector<1x256x40xf32>
    tpu.vector_store %arg7[%swap3A_467, %swap3A_468, %swap3A_469], %swap3A_472 {strides = array<i32>} : memref<8x256x40xf32, #tpu.memory_space<vmem>>, vector<1x256x40xf32>,
    %mul3A_473 = arith.mulf %slice3A_435, %sub3A_452 : vector<256x33xf32>
    %concatenate3A_474 = tpu.concatenate %mul3A_473, %broadcast_in_dim3A_92 in 1 : vector<256x33xf32>, vector<256x7xf32> -> vector<256x40xf32>
    %swap3A_475 = arith.constant 6 : index
    %swap3A_476 = arith.constant 0 : index
    %swap3A_477 = arith.constant 0 : index
    %swap3A_478 = vector.load %arg8[%swap3A_475, %swap3A_476, %swap3A_477] : memref<8x256x40xf32, #tpu.memory_space<vmem>>, vector<1x256x40xf32>
    %swap3A_479 = vector.shape_cast %swap3A_478 : vector<1x256x40xf32> to vector<256x40xf32>
    %swap3A_480 = vector.shape_cast %concatenate3A_474 : vector<256x40xf32> to vector<1x256x40xf32>
    tpu.vector_store %arg8[%swap3A_475, %swap3A_476, %swap3A_477], %swap3A_480 {strides = array<i32>} : memref<8x256x40xf32, #tpu.memory_space<vmem>>, vector<1x256x40xf32>,
    %iota3A_481 = tpu.iota {dimensions = array<i32: 0>} : vector<8x33xi32>
    %eq3A_482 = arith.constant 7 : i32
    %eq3A_483 = vector.broadcast %eq3A_482 : i32 to vector<8x33xi32>
    %eq3A_484 = arith.cmpi eq, %iota3A_481, %eq3A_483 : vector<8x33xi32>
    %convert_element_type3A_485 = arith.extui %eq3A_484 : vector<8x33xi1> to vector<8x33xi32>
    %convert_element_type3A_486 = arith.sitofp %convert_element_type3A_485 : vector<8x33xi32> to vector<8x33xf32>
    %dot_general3A_487 = arith.constant dense<0.000000e+00> : vector<256x33xf32>
    %dot_general3A_488 = tpu.matmul %add3A_28, %convert_element_type3A_486, %dot_general3A_487 {dimension_numbers = #tpu.dot_dimension_numbers<[1], [0], [0], [1], [0, 0, 1, 1], [], []>, precision = #tpu.contract_precision<fp32>, transpose_lhs_hint = false} : vector<256x8xf32>, vector<8x33xf32>, vector<256x33xf32> -> vector<256x33xf32>
    %dot_general3A_489 = arith.constant dense<0.000000e+00> : vector<256x33xf32>
    %dot_general3A_490 = tpu.matmul %mul3A_32, %convert_element_type3A_486, %dot_general3A_489 {dimension_numbers = #tpu.dot_dimension_numbers<[1], [0], [0], [1], [0, 0, 1, 1], [], []>, precision = #tpu.contract_precision<fp32>, transpose_lhs_hint = false} : vector<256x8xf32>, vector<8x33xf32>, vector<256x33xf32> -> vector<256x33xf32>
    %slice3A_491 = vector.extract_strided_slice %mul3A_49 {offsets = [0, 231], sizes = [256, 33], strides = [1, 1]} : vector<256x264xf32> to vector<256x33xf32>
    %mul3A_492 = arith.mulf %sub3A_51, %dot_general3A_488 : vector<256x33xf32>
    %add3A_493 = arith.addf %mul3A_492, %dot_general3A_490 : vector<256x33xf32>
    %jit3A_494 = arith.constant -2.560000e+02 : f32
    %jit3A_495 = arith.constant 2.560000e+02 : f32
    %max3A_496 = vector.broadcast %jit3A_494 : f32 to vector<256x33xf32>
    %max3A_497 = arith.maximumf %max3A_496, %add3A_493 : vector<256x33xf32>
    %min3A_498 = vector.broadcast %jit3A_495 : f32 to vector<256x33xf32>
    %min3A_499 = arith.minimumf %min3A_498, %max3A_497 : vector<256x33xf32>
    %add3A_500 = arith.addf %convert_element_type3A_55, %min3A_499 : vector<256x33xf32>
    %jit3A_501 = arith.constant 0.000000e+00 : f32
    %jit3A_502 = arith.constant 2.047000e+03 : f32
    %max3A_503 = vector.broadcast %jit3A_501 : f32 to vector<256x33xf32>
    %max3A_504 = arith.maximumf %max3A_503, %add3A_500 : vector<256x33xf32>
    %min3A_505 = vector.broadcast %jit3A_502 : f32 to vector<256x33xf32>
    %min3A_506 = arith.minimumf %min3A_505, %max3A_504 : vector<256x33xf32>
    %floor3A_507 = math.floor %min3A_506 : vector<256x33xf32>
    %sub3A_508 = arith.subf %min3A_506, %floor3A_507 : vector<256x33xf32>
    %convert_element_type3A_509 = arith.fptosi %floor3A_507 : vector<256x33xf32> to vector<256x33xi32>
    %sub3A_510 = arith.subi %convert_element_type3A_509, %min3A_89 : vector<256x33xi32>
    %concatenate3A_511 = tpu.concatenate %sub3A_510, %broadcast_in_dim3A_90 in 1 : vector<256x33xi32>, vector<256x7xi32> -> vector<256x40xi32>
    %swap3A_512 = arith.constant 7 : index
    %swap3A_513 = arith.constant 0 : index
    %swap3A_514 = arith.constant 0 : index
    %swap3A_515 = vector.load %arg6[%swap3A_512, %swap3A_513, %swap3A_514] : memref<8x256x40xi32, #tpu.memory_space<vmem>>, vector<1x256x40xi32>
    %swap3A_516 = vector.shape_cast %swap3A_515 : vector<1x256x40xi32> to vector<256x40xi32>
    %swap3A_517 = vector.shape_cast %concatenate3A_511 : vector<256x40xi32> to vector<1x256x40xi32>
    tpu.vector_store %arg6[%swap3A_512, %swap3A_513, %swap3A_514], %swap3A_517 {strides = array<i32>} : memref<8x256x40xi32, #tpu.memory_space<vmem>>, vector<1x256x40xi32>,
    %sub3A_518 = arith.constant 1.000000e+00 : f32
    %sub3A_519 = vector.broadcast %sub3A_518 : f32 to vector<256x33xf32>
    %sub3A_520 = arith.subf %sub3A_519, %sub3A_508 : vector<256x33xf32>
    %mul3A_521 = arith.mulf %slice3A_491, %sub3A_520 : vector<256x33xf32>
    %concatenate3A_522 = tpu.concatenate %mul3A_521, %broadcast_in_dim3A_92 in 1 : vector<256x33xf32>, vector<256x7xf32> -> vector<256x40xf32>
    %swap3A_523 = arith.constant 7 : index
    %swap3A_524 = arith.constant 0 : index
    %swap3A_525 = arith.constant 0 : index
    %swap3A_526 = vector.load %arg7[%swap3A_523, %swap3A_524, %swap3A_525] : memref<8x256x40xf32, #tpu.memory_space<vmem>>, vector<1x256x40xf32>
    %swap3A_527 = vector.shape_cast %swap3A_526 : vector<1x256x40xf32> to vector<256x40xf32>
    %swap3A_528 = vector.shape_cast %concatenate3A_522 : vector<256x40xf32> to vector<1x256x40xf32>
    tpu.vector_store %arg7[%swap3A_523, %swap3A_524, %swap3A_525], %swap3A_528 {strides = array<i32>} : memref<8x256x40xf32, #tpu.memory_space<vmem>>, vector<1x256x40xf32>,
    %mul3A_529 = arith.mulf %slice3A_491, %sub3A_508 : vector<256x33xf32>
    %concatenate3A_530 = tpu.concatenate %mul3A_529, %broadcast_in_dim3A_92 in 1 : vector<256x33xf32>, vector<256x7xf32> -> vector<256x40xf32>
    %swap3A_531 = arith.constant 7 : index
    %swap3A_532 = arith.constant 0 : index
    %swap3A_533 = arith.constant 0 : index
    %swap3A_534 = vector.load %arg8[%swap3A_531, %swap3A_532, %swap3A_533] : memref<8x256x40xf32, #tpu.memory_space<vmem>>, vector<1x256x40xf32>
    %swap3A_535 = vector.shape_cast %swap3A_534 : vector<1x256x40xf32> to vector<256x40xf32>
    %swap3A_536 = vector.shape_cast %concatenate3A_530 : vector<256x40xf32> to vector<1x256x40xf32>
    tpu.vector_store %arg8[%swap3A_531, %swap3A_532, %swap3A_533], %swap3A_536 {strides = array<i32>} : memref<8x256x40xf32, #tpu.memory_space<vmem>>, vector<1x256x40xf32>,
    return
  }
  func.func @transform_0(%arg0: i32) -> (i32, i32) {
    %c0_i32 = arith.constant 0 : i32
    %c0_i32_0 = arith.constant 0 : i32
    return %arg0, %c0_i32 : i32, i32
  }
  func.func @transform_1(%arg0: i32) -> (i32, i32) {
    %c0_i32 = arith.constant 0 : i32
    %c0_i32_0 = arith.constant 0 : i32
    %c0_i32_1 = arith.constant 0 : i32
    return %c0_i32, %c0_i32_0 : i32, i32
  }
  func.func @transform_2(%arg0: i32) -> (i32, i32) {
    %c0_i32 = arith.constant 0 : i32
    %c0_i32_0 = arith.constant 0 : i32
    %c0_i32_1 = arith.constant 0 : i32
    return %c0_i32, %c0_i32_0 : i32, i32
  }
  func.func @transform_3(%arg0: i32) -> (i32, i32) {
    %c0_i32 = arith.constant 0 : i32
    %c0_i32_0 = arith.constant 0 : i32
    %c0_i32_1 = arith.constant 0 : i32
    return %c0_i32, %c0_i32_0 : i32, i32
  }
  func.func @transform_4(%arg0: i32) -> (i32, i32) {
    %c0_i32 = arith.constant 0 : i32
    %c0_i32_0 = arith.constant 0 : i32
    %c0_i32_1 = arith.constant 0 : i32
    return %c0_i32, %c0_i32_0 : i32, i32
  }
  func.func @transform_5(%arg0: i32) -> (i32, i32, i32) {
    %c0_i32 = arith.constant 0 : i32
    %c0_i32_0 = arith.constant 0 : i32
    %c0_i32_1 = arith.constant 0 : i32
    return %c0_i32, %arg0, %c0_i32_0 : i32, i32, i32
  }
  func.func @transform_6(%arg0: i32) -> (i32, i32, i32) {
    %c0_i32 = arith.constant 0 : i32
    %c0_i32_0 = arith.constant 0 : i32
    %c0_i32_1 = arith.constant 0 : i32
    return %c0_i32, %arg0, %c0_i32_0 : i32, i32, i32
  }
  func.func @transform_7(%arg0: i32) -> (i32, i32, i32) {
    %c0_i32 = arith.constant 0 : i32
    %c0_i32_0 = arith.constant 0 : i32
    %c0_i32_1 = arith.constant 0 : i32
    return %c0_i32, %arg0, %c0_i32_0 : i32, i32, i32
  }
}

module attributes {stable_mosaic.version = 14 : i64} {
  func.func @_out_body(%arg0: i32, %arg1: memref<8x512x128xf32, #tpu.memory_space<vmem>>, %arg2: memref<1024x1024xf32, #tpu.memory_space<vmem>>, %arg3: memref<512x1024xf32, #tpu.memory_space<vmem>>) attributes {dimension_semantics = [#tpu.dimension_semantics<arbitrary>], iteration_bounds = array<i64: 4>, scalar_prefetch = 0 : i64, scratch_operands = 0 : i64, tpu.core_type = #tpu.core_type<tc>, window_params = [{transform_indices = @transform_0, window_bounds = array<i64: 8, 512, 128>}, {pipeline_mode = #tpu.pipeline_mode<synchronous>, transform_indices = @transform_1, window_bounds = array<i64: 1024, 1024>}, {transform_indices = @transform_2, window_bounds = array<i64: 512, 1024>}]} {
    %get3A = arith.constant 0 : index
    %get3A_0 = arith.constant 0 : index
    %get3A_1 = arith.constant 0 : index
    %get3A_2 = vector.load %arg1[%get3A, %get3A_0, %get3A_1] : memref<8x512x128xf32, #tpu.memory_space<vmem>>, vector<1x512x128xf32>
    %get3A_3 = vector.shape_cast %get3A_2 : vector<1x512x128xf32> to vector<512x128xf32>
    %get3A_4 = arith.constant 0 : index
    %get3A_5 = arith.constant 0 : index
    %get3A_6 = vector.load %arg2[%get3A_4, %get3A_5] : memref<1024x1024xf32, #tpu.memory_space<vmem>>, vector<1024x128xf32>
    %dot_general3A = arith.constant dense<0.000000e+00> : vector<512x1024xf32>
    %dot_general3A_7 = tpu.matmul %get3A_3, %get3A_6, %dot_general3A {dimension_numbers = #tpu.dot_dimension_numbers<[1], [1], [0], [0], [0, 0, 1, 0], [], []>, transpose_lhs_hint = false} : vector<512x128xf32>, vector<1024x128xf32>, vector<512x1024xf32> -> vector<512x1024xf32>
    %get3A_8 = arith.constant 1 : index
    %get3A_9 = arith.constant 0 : index
    %get3A_10 = arith.constant 0 : index
    %get3A_11 = vector.load %arg1[%get3A_8, %get3A_9, %get3A_10] : memref<8x512x128xf32, #tpu.memory_space<vmem>>, vector<1x512x128xf32>
    %get3A_12 = vector.shape_cast %get3A_11 : vector<1x512x128xf32> to vector<512x128xf32>
    %get3A_13 = arith.constant 0 : index
    %get3A_14 = arith.constant 128 : index
    %get3A_15 = vector.load %arg2[%get3A_13, %get3A_14] : memref<1024x1024xf32, #tpu.memory_space<vmem>>, vector<1024x128xf32>
    %dot_general3A_16 = arith.constant dense<0.000000e+00> : vector<512x1024xf32>
    %dot_general3A_17 = tpu.matmul %get3A_12, %get3A_15, %dot_general3A_16 {dimension_numbers = #tpu.dot_dimension_numbers<[1], [1], [0], [0], [0, 0, 1, 0], [], []>, transpose_lhs_hint = false} : vector<512x128xf32>, vector<1024x128xf32>, vector<512x1024xf32> -> vector<512x1024xf32>
    %add3A = arith.addf %dot_general3A_7, %dot_general3A_17 : vector<512x1024xf32>
    %get3A_18 = arith.constant 2 : index
    %get3A_19 = arith.constant 0 : index
    %get3A_20 = arith.constant 0 : index
    %get3A_21 = vector.load %arg1[%get3A_18, %get3A_19, %get3A_20] : memref<8x512x128xf32, #tpu.memory_space<vmem>>, vector<1x512x128xf32>
    %get3A_22 = vector.shape_cast %get3A_21 : vector<1x512x128xf32> to vector<512x128xf32>
    %get3A_23 = arith.constant 0 : index
    %get3A_24 = arith.constant 256 : index
    %get3A_25 = vector.load %arg2[%get3A_23, %get3A_24] : memref<1024x1024xf32, #tpu.memory_space<vmem>>, vector<1024x128xf32>
    %dot_general3A_26 = arith.constant dense<0.000000e+00> : vector<512x1024xf32>
    %dot_general3A_27 = tpu.matmul %get3A_22, %get3A_25, %dot_general3A_26 {dimension_numbers = #tpu.dot_dimension_numbers<[1], [1], [0], [0], [0, 0, 1, 0], [], []>, transpose_lhs_hint = false} : vector<512x128xf32>, vector<1024x128xf32>, vector<512x1024xf32> -> vector<512x1024xf32>
    %add3A_28 = arith.addf %add3A, %dot_general3A_27 : vector<512x1024xf32>
    %get3A_29 = arith.constant 3 : index
    %get3A_30 = arith.constant 0 : index
    %get3A_31 = arith.constant 0 : index
    %get3A_32 = vector.load %arg1[%get3A_29, %get3A_30, %get3A_31] : memref<8x512x128xf32, #tpu.memory_space<vmem>>, vector<1x512x128xf32>
    %get3A_33 = vector.shape_cast %get3A_32 : vector<1x512x128xf32> to vector<512x128xf32>
    %get3A_34 = arith.constant 0 : index
    %get3A_35 = arith.constant 384 : index
    %get3A_36 = vector.load %arg2[%get3A_34, %get3A_35] : memref<1024x1024xf32, #tpu.memory_space<vmem>>, vector<1024x128xf32>
    %dot_general3A_37 = arith.constant dense<0.000000e+00> : vector<512x1024xf32>
    %dot_general3A_38 = tpu.matmul %get3A_33, %get3A_36, %dot_general3A_37 {dimension_numbers = #tpu.dot_dimension_numbers<[1], [1], [0], [0], [0, 0, 1, 0], [], []>, transpose_lhs_hint = false} : vector<512x128xf32>, vector<1024x128xf32>, vector<512x1024xf32> -> vector<512x1024xf32>
    %add3A_39 = arith.addf %add3A_28, %dot_general3A_38 : vector<512x1024xf32>
    %get3A_40 = arith.constant 4 : index
    %get3A_41 = arith.constant 0 : index
    %get3A_42 = arith.constant 0 : index
    %get3A_43 = vector.load %arg1[%get3A_40, %get3A_41, %get3A_42] : memref<8x512x128xf32, #tpu.memory_space<vmem>>, vector<1x512x128xf32>
    %get3A_44 = vector.shape_cast %get3A_43 : vector<1x512x128xf32> to vector<512x128xf32>
    %get3A_45 = arith.constant 0 : index
    %get3A_46 = arith.constant 512 : index
    %get3A_47 = vector.load %arg2[%get3A_45, %get3A_46] : memref<1024x1024xf32, #tpu.memory_space<vmem>>, vector<1024x128xf32>
    %dot_general3A_48 = arith.constant dense<0.000000e+00> : vector<512x1024xf32>
    %dot_general3A_49 = tpu.matmul %get3A_44, %get3A_47, %dot_general3A_48 {dimension_numbers = #tpu.dot_dimension_numbers<[1], [1], [0], [0], [0, 0, 1, 0], [], []>, transpose_lhs_hint = false} : vector<512x128xf32>, vector<1024x128xf32>, vector<512x1024xf32> -> vector<512x1024xf32>
    %add3A_50 = arith.addf %add3A_39, %dot_general3A_49 : vector<512x1024xf32>
    %get3A_51 = arith.constant 5 : index
    %get3A_52 = arith.constant 0 : index
    %get3A_53 = arith.constant 0 : index
    %get3A_54 = vector.load %arg1[%get3A_51, %get3A_52, %get3A_53] : memref<8x512x128xf32, #tpu.memory_space<vmem>>, vector<1x512x128xf32>
    %get3A_55 = vector.shape_cast %get3A_54 : vector<1x512x128xf32> to vector<512x128xf32>
    %get3A_56 = arith.constant 0 : index
    %get3A_57 = arith.constant 640 : index
    %get3A_58 = vector.load %arg2[%get3A_56, %get3A_57] : memref<1024x1024xf32, #tpu.memory_space<vmem>>, vector<1024x128xf32>
    %dot_general3A_59 = arith.constant dense<0.000000e+00> : vector<512x1024xf32>
    %dot_general3A_60 = tpu.matmul %get3A_55, %get3A_58, %dot_general3A_59 {dimension_numbers = #tpu.dot_dimension_numbers<[1], [1], [0], [0], [0, 0, 1, 0], [], []>, transpose_lhs_hint = false} : vector<512x128xf32>, vector<1024x128xf32>, vector<512x1024xf32> -> vector<512x1024xf32>
    %add3A_61 = arith.addf %add3A_50, %dot_general3A_60 : vector<512x1024xf32>
    %get3A_62 = arith.constant 6 : index
    %get3A_63 = arith.constant 0 : index
    %get3A_64 = arith.constant 0 : index
    %get3A_65 = vector.load %arg1[%get3A_62, %get3A_63, %get3A_64] : memref<8x512x128xf32, #tpu.memory_space<vmem>>, vector<1x512x128xf32>
    %get3A_66 = vector.shape_cast %get3A_65 : vector<1x512x128xf32> to vector<512x128xf32>
    %get3A_67 = arith.constant 0 : index
    %get3A_68 = arith.constant 768 : index
    %get3A_69 = vector.load %arg2[%get3A_67, %get3A_68] : memref<1024x1024xf32, #tpu.memory_space<vmem>>, vector<1024x128xf32>
    %dot_general3A_70 = arith.constant dense<0.000000e+00> : vector<512x1024xf32>
    %dot_general3A_71 = tpu.matmul %get3A_66, %get3A_69, %dot_general3A_70 {dimension_numbers = #tpu.dot_dimension_numbers<[1], [1], [0], [0], [0, 0, 1, 0], [], []>, transpose_lhs_hint = false} : vector<512x128xf32>, vector<1024x128xf32>, vector<512x1024xf32> -> vector<512x1024xf32>
    %add3A_72 = arith.addf %add3A_61, %dot_general3A_71 : vector<512x1024xf32>
    %get3A_73 = arith.constant 7 : index
    %get3A_74 = arith.constant 0 : index
    %get3A_75 = arith.constant 0 : index
    %get3A_76 = vector.load %arg1[%get3A_73, %get3A_74, %get3A_75] : memref<8x512x128xf32, #tpu.memory_space<vmem>>, vector<1x512x128xf32>
    %get3A_77 = vector.shape_cast %get3A_76 : vector<1x512x128xf32> to vector<512x128xf32>
    %get3A_78 = arith.constant 0 : index
    %get3A_79 = arith.constant 896 : index
    %get3A_80 = vector.load %arg2[%get3A_78, %get3A_79] : memref<1024x1024xf32, #tpu.memory_space<vmem>>, vector<1024x128xf32>
    %dot_general3A_81 = arith.constant dense<0.000000e+00> : vector<512x1024xf32>
    %dot_general3A_82 = tpu.matmul %get3A_77, %get3A_80, %dot_general3A_81 {dimension_numbers = #tpu.dot_dimension_numbers<[1], [1], [0], [0], [0, 0, 1, 0], [], []>, transpose_lhs_hint = false} : vector<512x128xf32>, vector<1024x128xf32>, vector<512x1024xf32> -> vector<512x1024xf32>
    %add3A_83 = arith.addf %add3A_72, %dot_general3A_82 : vector<512x1024xf32>
    %logistic3A = arith.negf %add3A_83 : vector<512x1024xf32>
    %logistic3A_84 = math.exp %logistic3A : vector<512x1024xf32>
    %logistic3A_85 = arith.constant 1.000000e+00 : f32
    %logistic3A_86 = vector.broadcast %logistic3A_85 : f32 to vector<512x1024xf32>
    %logistic3A_87 = arith.addf %logistic3A_86, %logistic3A_84 : vector<512x1024xf32>
    %logistic3A_88 = arith.divf %logistic3A_86, %logistic3A_87 : vector<512x1024xf32>
    %mul3A = arith.mulf %add3A_83, %logistic3A_88 : vector<512x1024xf32>
    %swap3A = arith.constant 0 : index
    %swap3A_89 = arith.constant 0 : index
    %swap3A_90 = vector.load %arg3[%swap3A, %swap3A_89] : memref<512x1024xf32, #tpu.memory_space<vmem>>, vector<512x1024xf32>
    tpu.vector_store %arg3[%swap3A, %swap3A_89], %mul3A {strides = array<i32>} : memref<512x1024xf32, #tpu.memory_space<vmem>>, vector<512x1024xf32>,
    return
  }
  func.func @transform_0(%arg0: i32) -> (i32, i32, i32) {
    %c0_i32 = arith.constant 0 : i32
    %c0_i32_0 = arith.constant 0 : i32
    %c0_i32_1 = arith.constant 0 : i32
    return %c0_i32, %arg0, %c0_i32_0 : i32, i32, i32
  }
  func.func @transform_1(%arg0: i32) -> (i32, i32) {
    %c0_i32 = arith.constant 0 : i32
    %c0_i32_0 = arith.constant 0 : i32
    %c0_i32_1 = arith.constant 0 : i32
    return %c0_i32, %c0_i32_0 : i32, i32
  }
  func.func @transform_2(%arg0: i32) -> (i32, i32) {
    %c0_i32 = arith.constant 0 : i32
    %c0_i32_0 = arith.constant 0 : i32
    return %arg0, %c0_i32 : i32, i32
  }
}

</mosaic_0001>

<sc_bundles>
// kernel: kernel.5.cloned.1.call-start
scs
__scs_entry_jumppad:
0x0: {  	(pc) =	sbr.rel $0x88, $3  }
0x1: {  	(tag) =	ssettag $0x0;
	lr =	simm.s32 $0x1  }
0x2: {  	[smem:$0x3F9B] =	sst lr;
	_ =	strace $0xD0000000  }
0x3: {  	_ = 	snop  }
0x4: {  	_ = 	snop  }
0x5: {  	_ = 	snop  }
0x6: {  	_ = 	snop  }
0x7: {  	_ = 	snop  }
__scs_overlays_trampoline_lowered:
0x8: {  	[smem:$0x3FAA] =	sst s0  }
0x9: {  	[smem:$0x3FAB] =	sst s1  }
0xa: {  	[smem:$0x3FAC] =	sst s2  }
0xb: {  	[smem:$0x3FAD] =	sst s3  }
0xc: {  	[smem:$0x3FAE] =	sst s4  }
0xd: {  	[smem:$0x3FAF] =	sst s5  }
0xe: {  	[smem:$0x3FB0] =	sst s6  }
0xf: {  	[smem:$0x3FB1] =	sst s7  }
0x10: {  	[smem:$0x3FB2] =	sst s8  }
0x11: {  	[smem:$0x3FB3] =	sst s9;
	s0 =	simm.s32 @!p0 $0x0  }
0x12: {  	s1 =	sld [smem:$0x3F99];
	s0 =	simm.s32 @p0 $0x1  }
0x13: {  	[smem:$0x3FB4] =	sst s0;
	s0 =	simm.s32 @!p1 $0x0  }
0x14: {  	s2 =	sld [smem:$0x3F98];
	s0 =	simm.s32 @p1 $0x1  }
0x15: {  	[smem:$0x3FB5] =	sst s0;
	s0 =	simm.s32 @!p2 $0x0  }
0x16: {  	s3 =	sld [smem:$0x3FDB];
	s0 =	simm.s32 @p2 $0x1  }
0x17: {  	s4 =	simm.s32 $0x1BF5;
	[smem:$0x3FB7] =	sst s0  }
0x18: {  	s0 =	sld [smem:$0x3F9A];
	_ =	swait.ge [sflag:s4], $0x0  }
0x19: {  	s7 =	sld [smem:$0x3F9B]  }
0x1a: {  	s8 =	sadd.s32 $0xFFFFE003, lr  }
0x1b: {  	s9 =	sadd.s32 $0xFFFFFEF7, lr;
	s5 =	simm.s32 $0xFFFFFFFF;
	p2 =	slt.u32 s8, $0xFFFFF086  }
0x1c: {  	p1 =	slt.u32 s9, $0xF7A;
	s5 =	simm.s32 @!p2 $0x0  }
0x1d: {  	s5 =	simm.s32 @p1 $0x1;
	p0 =	seq.s32 s7, s2  }
0x1e: {  	s7 =	smul.u32 @!p0 $0xF7A, s2;
	p2 =	seq.s32 @!p0 s5, $0x0  }
0x1f: {  	s9 =	smul.u32 $0xF7A, s1;
	s8 =	simm.s32 @!p0 $0x1BF5;
	p2 =	por !p2, p0  }
0x20: {  	[sflag:s8] =	ssyncset.s32 @!p0 $0xFFFFF086;
	s6 =	sadd.s32 @!p0 s3, s7;
	s7 =	simm.s32 @!p0 $0x108  }
0x21: {  	s3 =	sadd.s32 s3, s9;
	s6 =	sadd.s32 @!p0 $0x88, s6;
	s7 =	simm.s32 @p2 $0x1082  }
0x22: {  	[simem:s7], [sflag:s8] =	dma.local @!p0 [hbm:s6], $0xF7A  }
0x23: {  	s9 =	sor.u32 $0xD0000000, s2;
	s6 =	simm.s32 $0x108;
	_ =	swait.ge @!p0 [sflag:s8], $0x0  }
0x24: {  	s3 =	sadd.s32 $0x88, s3;
	s6 =	simm.s32 @!p1 $0x1082;
	[sflag:s4] =	ssyncset.s32 $0xFFFFF086  }
0x25: {  	[simem:s6], [sflag:s4] =	dma.local [hbm:s3], $0xF7A  }
0x26: {  	[smem:$0x3F9B] =	sst s1;
	(tag) =	ssettag s2;
	_ =	strace s9  }
0x27: {  	s1 =	sld [smem:$0x3FAB]  }
0x28: {  	s2 =	sld [smem:$0x3FAC]  }
0x29: {  	s4 =	sld [smem:$0x3FAE]  }
0x2a: {  	p0 =	seq.s32 s5, $0x0;
	s5 =	sld [smem:$0x3FAF]  }
0x2b: {  	s6 =	sld [smem:$0x3FB0]  }
0x2c: {  	s7 =	sld [smem:$0x3FB1]  }
0x2d: {  	s3 =	simm.s32 $0x108;
	s8 =	sld [smem:$0x3FB2]  }
0x2e: {  	s3 =	simm.s32 @!p0 $0x1082;
	s9 =	sld [smem:$0x3FB3]  }
0x2f: {  	lr =	sadd.s32 s0, s3;
	s0 =	sld [smem:$0x3FAA]  }
0x30: {  	s3 =	sld [smem:$0x3FAD]  }
0x31: {  	[smem:$0x3FB6] =	sst s10  }
0x32: {  	s10 =	sld [smem:$0x3FB4];
	_ =	sdelay $0x3  }
0x33: {  	p0 =	seq.s32 s10, $0x1;
	s10 =	sld [smem:$0x3FB6];
	_ =	sdelay $0x3  }
0x34: {  	[smem:$0x3FB6] =	sst s10  }
0x35: {  	s10 =	sld [smem:$0x3FB5];
	_ =	sdelay $0x3  }
0x36: {  	p1 =	seq.s32 s10, $0x1;
	s10 =	sld [smem:$0x3FB6];
	_ =	sdelay $0x3  }
0x37: {  	[smem:$0x3FB6] =	sst s10  }
0x38: {  	s10 =	sld [smem:$0x3FB7]  }
0x39: {  	_ = 	snop;
	(pc) =	sbr.ind lr, $3  }
0x3a: {  	_ = 	snop  }
0x3b: {  	_ = 	snop  }
0x3c: {  	p2 =	seq.s32 s10, $0x1;
	s10 =	sld [smem:$0x3FB6]  }
0x3d: {  	_ =	shalt  }
0x3e: {  	_ =	shalt  }
0x3f: {  	_ =	shalt  }
0x40: {  	_ =	shalt  }
0x41: {  	_ =	shalt  }
0x42: {  	_ =	shalt  }
0x43: {  	_ =	shalt  }
0x44: {  	_ =	shalt  }
0x45: {  	_ =	shalt  }
0x46: {  	_ =	shalt  }
0x47: {  	_ =	shalt  }
0x48: {  	_ =	shalt  }
0x49: {  	_ =	shalt  }
0x4a: {  	_ =	shalt  }
0x4b: {  	_ =	shalt  }
0x4c: {  	_ =	shalt  }
0x4d: {  	_ =	shalt  }
0x4e: {  	_ =	shalt  }
0x4f: {  	_ =	shalt  }
0x50: {  	_ =	shalt  }
0x51: {  	_ =	shalt  }
0x52: {  	_ =	shalt  }
0x53: {  	_ =	shalt  }
0x54: {  	_ =	shalt  }
0x55: {  	_ =	shalt  }
0x56: {  	_ =	shalt  }
0x57: {  	_ =	shalt  }
0x58: {  	_ =	shalt  }
0x59: {  	_ =	shalt  }
0x5a: {  	_ =	shalt  }
0x5b: {  	_ =	shalt  }
0x5c: {  	_ =	shalt  }
0x5d: {  	_ =	shalt  }
0x5e: {  	_ =	shalt  }
0x5f: {  	_ =	shalt  }
0x60: {  	_ =	shalt  }
0x61: {  	_ =	shalt  }
0x62: {  	_ =	shalt  }
0x63: {  	_ =	shalt  }
0x64: {  	_ =	shalt  }
0x65: {  	_ =	shalt  }
0x66: {  	_ =	shalt  }
0x67: {  	_ =	shalt  }
0x68: {  	_ =	shalt  }
0x69: {  	_ =	shalt  }
0x6a: {  	_ =	shalt  }
0x6b: {  	_ =	shalt  }
0x6c: {  	_ =	shalt  }
0x6d: {  	_ =	shalt  }
0x6e: {  	_ =	shalt  }
0x6f: {  	_ =	shalt  }
0x70: {  	_ =	shalt  }
0x71: {  	_ =	shalt  }
0x72: {  	_ =	shalt  }
0x73: {  	_ =	shalt  }
0x74: {  	_ =	shalt  }
0x75: {  	_ =	shalt  }
0x76: {  	_ =	shalt  }
0x77: {  	_ =	shalt  }
0x78: {  	_ =	shalt  }
0x79: {  	_ =	shalt  }
0x7a: {  	_ =	shalt  }
0x7b: {  	_ =	shalt  }
0x7c: {  	_ =	shalt  }
0x7d: {  	_ =	shalt  }
0x7e: {  	_ =	shalt  }
0x7f: {  	_ =	shalt  }
0x80: {  	_ =	shalt  }
0x81: {  	_ =	shalt  }
0x82: {  	_ =	shalt  }
0x83: {  	_ =	shalt  }
0x84: {  	_ =	shalt  }
0x85: {  	_ =	shalt  }
0x86: {  	_ =	shalt  }
0x87: {  	_ =	shalt  }
.Lfunc_end0:
.L_simem_size_0:
called_computation_lowered:
.L_overlay_start_0:
0x88: {  	s2 =	sld [smem:$0x3FD9]  }
0x89: {  	s3 =	sld [smem:$0x3FFE];
	_ =	sdelay $0x1  }
0x8a: {  	s1 =	srdreg.scid  }
0x8b: {  	s0 =	sand.u32 $0x1, s1  }
0x8c: {  	s17 =	sshll.u32 s0, $0xA;
	s2 =	sadd.s32 s3, s2  }
0x8d: {  	s2 =	sadd.s32 s2, s17  }
0x8e: {  	[smem:$0x3FC2] =	sst s2  }
0x8f: {  	_ = 	snop  }
0x90: {  	s2 =	sld [smem:$0x3FC9]  }
0x91: {  	s18 =	sld [smem:$0x3FD0];
	(tm) =	ssettm $0x1  }
0x92: {  	s4 =	sld [smem:$0x3FFB];
	_ =	sdelay $0x3  }
0x93: {  	_ =	strace s4  }
0x94: {  	s4 =	sld [smem:$0x3FFC];
	_ =	sdelay $0x3  }
0x95: {  	_ =	strace s4  }
0x96: {  	s4 =	sld [smem:$0x3FFD];
	_ =	sdelay $0x3  }
0x97: {  	_ =	strace s4  }
0x98: {  	_ =	strace $0x8FFFFFFF  }
0x99: {  	s19 =	sld [smem:$0x3FDB];
	_ =	sdelay $0x1  }
0x9a: {  	s5 =	simm.s32 $_scs_section_size  }
0x9b: {  	s6 =	simm.s32 $_size__tile_overlayer_lowered;
	s7 =	simm.s32 $_tile_overlayer_lowered  }
0x9c: {  	s22 =	simm.s32 $0x1BFF;
	s21 =	sshll.u32 s7, $0x1;
	s4 =	sadd.s32 s5, s19  }
0x9d: {  	s8 =	simm.s32 $0x0;
	s20 =	sshll.u32 s6, $0x1;
	s6 =	sadd.s32 s21, s4  }
0x9e: {  	[timem:s8], [sflag:s22] =	dma.local [hbm:s6], s20  }
0x9f: {  	_ =	swait.ge [sflag:s22], s20  }
0xa0: {  	s5 =	ssub.s32 $0x0, s20;
	[sflag:s22] =	ssyncset.done $0x0  }
0xa1: {  	[sflag:s22] =	ssyncadd.s32 s5;
	_ =	sdelay $0x1  }
0xa2: {  	s23 =	simm.s32 $0x1B8B  }
0xa3: {  	_ =	swait.ge [sflag:s23], $0x1  }
0xa4: {  	[sflag:s23] =	ssyncset.done $0x0  }
0xa5: {  	s25 =	simm.s32 $0x1B8E;
	s24 =	sld [smem:$0x3FFE];
	[sflag:s23] =	ssyncadd.s32 $0xFFFFFFFF  }
0xa6: {  	s26 =	simm.s32 $execute0_lowered;
	[smem:$0x3FD2] =	sst s25  }
0xa7: {  	s6 =	sshll.u32 s26, $0x1;
	_ =	strace $0x80000046;
	[dreg:$0x1] =	wrdreg $0xFFFFFFFF  }
0xa8: {  	s28 =	simm.s32 $_size_execute0_lowered;
	s4 =	sadd.s32 s4, s6;
	[dreg:$0x0] =	wrdreg $0x0  }
0xa9: {  	s6 =	sshll.u32 s28, $0x1;
	[dreg:$0x2] =	wrdreg s4  }
0xaa: {  	[dreg:$0x3] =	wrdreg s6  }
0xab: {  	[dreg:$0x4] =	wrdreg $0xC0  }
0xac: {  	_ =	task [dreg:s8], $0x5FFFF  }
0xad: {  	[dreg:$0x1] =	wrdreg $0xFFFFFFFF  }
0xae: {  	[dreg:$0x0] =	wrdreg $0x60  }
0xaf: {  	[dreg:$0x2] =	wrdreg s2  }
0xb0: {  	[dreg:$0x3] =	wrdreg s24  }
0xb1: {  	[dreg:$0x4] =	wrdreg s18  }
0xb2: {  	[dreg:$0x5] =	wrdreg $0x9  }
0xb3: {  	_ =	task.clear_ibuf [dreg:s8], $0x6FFFF;
	_ =	strace $0x90000046  }
0xb4: {  	s29 =	simm.s32 $0x9;
	_ =	strace $0x80000048  }
0xb5: {  	_ =	swait.ge [sflag:s29], $0x1  }
0xb6: {  	[sflag:s29] =	ssyncadd.s32 $0xFFFFFFFF  }
0xb7: {  	_ =	strace $0x90000048  }
0xb8: {  	_ =	sfence  }
0xb9: {  	s30 =	sld [smem:$0x0];
	_ =	sdelay $0x2  }
0xba: {  	s31 =	sshll.u32 s1, $0xD;
	s1 =	sshrl.u32 s1, $0x2  }
0xbb: {  	s3 =	sand.u32 $0x4000, s31;
	s1 =	sadd.s32 s1, s30  }
0xbc: {  	s0 =	sor.u32 s3, s0;
	s1 =	sshll.u32 s1, $0x11  }
0xbd: {  	s0 =	sor.u32 s1, s0  }
0xbe: {  	s0 =	sadd.s32 $0x8F2B, s0  }
0xbf: {  	[sflag:s0] =	ssyncadd.remote.s32 $0x1  }
0xc0: {  	_ =	sfence.sel $0xFFFF  }
0xc1: {  	[dreg:$0x0] =	wrdreg $0xFFFFFFFF;
	(pc) =	sbr.abs _section_cstart, $3  }
0xc2: {  	[dreg:$0x1] =	wrdreg $0xFFFFFFFF  }
0xc3: {  	_ =	task.clear_ibuf [dreg:s8], $0x2FFFF;
	_ =	strace $0x9FFFFFFF  }
0xc4: {  	(tm) =	ssettm $0x7FFFFFFF  }
0xc5: {  	_ =	shalt  }
tec
execute0_lowered:
.L_overlay_start_1:
0x0: {  	(tag) =	ssettag $0x1  }
0x1: {  	s1 =	rddreg [dreg:$0x0]  }
0x2: {  	s7 =	rddreg [dreg:$0x1]  }
0x3: {  	s2 =	rddreg [dreg:$0x2]  }
0x4: {  	s0 =	rddreg [dreg:$0x3];
	s4 =	simm.s32 $0x0;
	s6 =	srdreg.scid  }
0x5: {  	s3 =	stileid.u32;
	s12 =	simm.s32 $0x400;
	s13 =	simm.s32 $0x2000  }
0x6: {  	s14 =	simm.s32 $0x1;
	s15 =	simm.s32 $0x18580;
	s16 =	simm.s32 $0x2  }
0x7: {  	s17 =	simm.s32 $0x0;
	[smem:$0x7FF] =	sst s4;
	s5 =	sadd.s32 $0x1600, s7  }
0x8: {  	s8 =	sand.u32 $0x1, s6;
	s9 =	sshll.u32 s3, $0x1;
	s6 =	sadd.s32 $0x15600, s7  }
0x9: {  	s7 =	sadd.s32 $0x29600, s7;
	s31 =	sshrl.u32 s3, $0x1;
	s10 =	ssub.s32 $0x2, s8  }
0xa: {  	_ =	strace $0x80000047;
	s9 =	sand.u32 $0x2, s9;
	s11 =	sshrl.u32 s10, $0x1  }
0xb: {  	s8 =	sor.u32 s8, s9;
	s9 =	sshll.u32 s31, $0xB;
	s11 =	ssub.s32 s10, s11  }
0xc: {  	s8 =	sshll.u32 s8, $0x9;
	s10 =	sor.u32 $0xFFFFFEF8, s31;
	s11 =	smax.u32 s11, $0x1  }
.LBB2_1:
0xd: {  	s18 =	simm.s32 $0x0  }
.LBB2_2:
0xe: {  	s19 =	sshll.u32 s18, $0x7  }
0xf: {  	s19 =	sadd.s32 s8, s19  }
0x10: {  	s20 =	smax.u32 s19, $0x108  }
0x11: {  	s20 =	smin.u32 s20, $0x678  }
0x12: {  	s20 =	sadd.s32 s10, s20  }
0x13: {  	s20 =	sshll.u32 s20, $0x7  }
0x14: {  	s19 =	sadd.s32 s9, s19;
	s20 =	sand.u32 $0x1FFFFF80, s20  }
0x15: {  	s23 =	smul.u32 $0x5, s19;
	s21 =	sadd.s32 s1, s20;
	s20 =	simm.s32 $0x0  }
0x16: {  	[tilespmem:s20], [sflag:$0x1] =	stream.strided.gather [hbm4b:s21+s12], $0x14800, s13, s12, $0x38;
	[tilespmem:$0x1C580] =	vst v63  }
0x17: {  	s22 =	sadd.s32 s5, s23;
	s21 =	simm.s32 $0x14800  }
0x18: {  	[tilespmem:s21], [sflag:$0x1] =	stream.linear.gather [hbm4b:s22+s20], $0x1400, $0x38;
	[tilespmem:$0x1C580] =	vst v63  }
0x19: {  	s24 =	sadd.s32 s6, s23;
	s22 =	simm.s32 $0x15C80  }
0x1a: {  	[tilespmem:s22], [sflag:$0x1] =	stream.linear.gather [hbm4b:s24+s20], $0x1400, $0x38;
	[tilespmem:$0x1C580] =	vst v63  }
0x1b: {  	s31 =	sadd.s32 s7, s23;
	s23 =	simm.s32 $0x17100  }
0x1c: {  	[tilespmem:s23], [sflag:$0x1] =	stream.linear.gather [hbm4b:s31+s20], $0x1400, $0x38;
	[tilespmem:$0x1C580] =	vst v63  }
0x1d: {  	_ =	swait.ge [sflag:s14], $0x14800  }
0x1e: {  	[sflag:s14] =	ssyncset.done $0x0  }
0x1f: {  	[sflag:s14] =	ssyncadd.s32 $0xFFFEB800  }
0x20: {  	_ =	swait.ge [sflag:s14], $0x1400  }
0x21: {  	[sflag:s14] =	ssyncset.done $0x0  }
0x22: {  	[sflag:s14] =	ssyncadd.s32 $0xFFFFEC00  }
0x23: {  	_ =	swait.ge [sflag:s14], $0x1400  }
0x24: {  	[sflag:s14] =	ssyncset.done $0x0  }
0x25: {  	[sflag:s14] =	ssyncadd.s32 $0xFFFFEC00  }
0x26: {  	_ =	swait.ge [sflag:s14], $0x1400  }
0x27: {  	[sflag:s14] =	ssyncset.done $0x0  }
0x28: {  	[sflag:s14] =	ssyncadd.s32 $0xFFFFEC00  }
.LBB2_3:
0x29: {  	v4 =	vmov s21;
	_ =	sdelay $0x3  }
0x2a: {  	s24 =	simm.s32 $0x0  }
0x2b: {  	v0 =	vld.idx.msk [tilespmem:v4+s24+$0x0 ss:$0x1], $0xffff;
	_ =	sdelay $0x4  }
0x2c: {  	(v2sf) =	vpush v0, $0x0;
	_ =	sdelay $0xc  }
0x2d: {  	s24 =	simm.s32 $0x1  }
0x2e: {  	v0 =	vld.idx.msk [tilespmem:v4+s24+$0x0 ss:$0x1], $0xffff  }
0x2f: {  	s25 =	sadd.s32 $0x0, s23;
	s26 =	spop (v2sf)  }
0x30: {  	s28 =	sadd.s32 $0x0, s22;
	v1 =	vld.msk [tilespmem:s25+$0x0 ss:$0x0], $0xffff;
	s26 =	sshll.u32 s26, $0x9  }
0x31: {  	v3 =	vld.msk [tilespmem:s28+$0x0 ss:$0x0], $0xffff;
	s25 =	sshra.s32 s26, $0x2  }
0x32: {  	v2 =	vld [tilespmem:s25+$0x80]  }
0x33: {  	(v2sf) =	vpush v0, $0x0;
	v5 =	vld [tilespmem:s25+$0x90]  }
0x34: {  	v6 =	vld [tilespmem:s25+$0xF0]  }
0x35: {  	v7 =	vld [tilespmem:s25+$0x70]  }
0x36: {  	v9 =	vld [tilespmem:s25+$0xE0]  }
0x37: {  	v10 =	vld [tilespmem:s25+$0x60]  }
0x38: {  	v11 =	vld [tilespmem:s25+$0xA0]  }
0x39: {  	v14 =	vld [tilespmem:s25+$0xC0]  }
0x3a: {  	v19 =	vld [tilespmem:s25+$0x40];
	v7 =	vmul.f32 v7, v3  }
0x3b: {  	v8 =	vimm.f32 $0.0e+00;
	v17 =	vld [tilespmem:s25+$0x30];
	v0 =	vmul.f32 v5, v1;
	v21 =	vmul.f32 v6, v1  }
0x3c: {  	v12 =	vimm.f32 $0.0e+00;
	v15 =	vld [tilespmem:s25+$0x20];
	v20 =	vmul.f32 v10, v3;
	v13 =	vmul.f32 v9, v1  }
0x3d: {  	v16 =	vld [tilespmem:s25+$0x0];
	v10 =	vimm.f32 $0.0e+00;
	v9 =	vimm.f32 $0.0e+00;
	v6 =	vimm.f32 $0.0e+00  }
0x3e: {  	s26 =	simm.s32 $0x8;
	v18 =	vld [tilespmem:s25+$0x10];
	v5 =	vimm.f32 $0.0e+00;
	v22 =	vadd.f32 v7, v8;
	v7 =	vimm.f32 $0.0e+00  }
.LBB2_4:
0x3f: {  	s28 =	sshra.s32 s26, $0x2;
	p0 =	sne.s32 s26, $0x80;
	s26 =	sadd.s32 $0x4, s26;
	v23 =	vld [tilespmem:s25+$0x50]  }
0x40: {  	v14 =	vmul.f32 v14, v1;
	v24 =	vld.idx.msk [tilespmem:v4+s28+$0x0 ss:$0x1], $0xffff  }
0x41: {  	v11 =	vmul.f32 v11, v1;
	v19 =	vmul.f32 v19, v3;
	v22 =	vadd.f32 v21, v22;
	v25 =	vld [tilespmem:s25+$0xB0]  }
0x42: {  	s29 =	sadd.s32 s24, s23;
	v8 =	vadd.f32 v20, v8;
	v17 =	vmul.f32 v17, v3;
	v15 =	vmul.f32 v15, v3;
	s30 =	spop (v2sf);
	v21 =	vld [tilespmem:s25+$0xD0]  }
0x43: {  	s31 =	sadd.s32 s24, s22;
	s24 =	smov.u32 s28;
	v10 =	vadd.f32 v19, v10;
	v16 =	vmul.f32 v16, v3;
	s25 =	sshll.u32 s30, $0x9;
	v20 =	vld.msk [tilespmem:s29+$0x0 ss:$0x0], $0xffff;
	v18 =	vmul.f32 v18, v3  }
0x44: {  	v8 =	vadd.f32 v13, v8;
	v12 =	vadd.f32 v17, v12;
	s25 =	sshra.s32 s25, $0x2;
	v17 =	vmul.f32 v23, v3;
	v3 =	vld.msk [tilespmem:s31+$0x0 ss:$0x0], $0xffff  }
0x45: {  	v13 =	vmul.f32 v2, v1;
	v10 =	vadd.f32 v14, v10;
	v9 =	vadd.f32 v16, v9;
	v2 =	vld [tilespmem:s25+$0x80]  }
0x46: {  	(v2sf) =	vpush v24, $0x0;
	v14 =	vld [tilespmem:s25+$0x90];
	v16 =	vmul.f32 v25, v1;
	v6 =	vadd.f32 v17, v6  }
0x47: {  	v5 =	vadd.f32 v15, v5;
	v7 =	vadd.f32 v18, v7;
	v23 =	vld [tilespmem:s25+$0xF0];
	v15 =	vmul.f32 v21, v1  }
0x48: {  	v9 =	vadd.f32 v13, v9;
	v24 =	vld [tilespmem:s25+$0xE0];
	v12 =	vadd.f32 v16, v12  }
0x49: {  	v5 =	vadd.f32 v11, v5;
	v1 =	vmov v20;
	v13 =	vld [tilespmem:s25+$0x70];
	v6 =	vadd.f32 v15, v6  }
0x4a: {  	v7 =	vadd.f32 v0, v7;
	v11 =	vld [tilespmem:s25+$0xA0]  }
0x4b: {  	v0 =	vmul.f32 v14, v1;
	v18 =	vld [tilespmem:s25+$0x60]  }
0x4c: {  	v14 =	vld [tilespmem:s25+$0xC0]  }
.Ltmp0:
0x4d: {  	v19 =	vld [tilespmem:s25+$0x40];
	(pc) =	sbr.rel @p0 .LBB2_4-.Ltmp0, $4  }
0x4e: {  	v21 =	vmul.f32 v23, v1;
	v17 =	vld [tilespmem:s25+$0x30];
	v13 =	vmul.f32 v13, v3  }
0x4f: {  	v15 =	vld [tilespmem:s25+$0x20]  }
0x50: {  	v16 =	vld [tilespmem:s25+$0x0];
	v20 =	vmul.f32 v18, v3;
	v22 =	vadd.f32 v13, v22  }
0x51: {  	v13 =	vmul.f32 v24, v1;
	v18 =	vld [tilespmem:s25+$0x10]  }
0x52: {  	_ = 	snop  }
0x53: {  	v4 =	vld [tilespmem:s25+$0x50]  }
0x54: {  	v23 =	vld [tilespmem:s25+$0xB0]  }
0x55: {  	s26 =	sadd.s32 s24, s23;
	v24 =	vld [tilespmem:s25+$0xD0];
	s28 =	spop (v2sf)  }
0x56: {  	s29 =	sadd.s32 s24, s22;
	v25 =	vld.msk [tilespmem:s26+$0x0 ss:$0x0], $0xffff;
	s30 =	sshll.u32 s28, $0x9  }
0x57: {  	v26 =	vld.msk [tilespmem:s29+$0x0 ss:$0x0], $0xffff;
	s25 =	sshra.s32 s30, $0x2  }
0x58: {  	v27 =	vld [tilespmem:s25+$0x80]  }
0x59: {  	v28 =	vld [tilespmem:s25+$0x90]  }
0x5a: {  	v19 =	vmul.f32 v19, v3;
	v14 =	vmul.f32 v14, v1;
	v33 =	vld [tilespmem:s25+$0x70]  }
0x5b: {  	v8 =	vadd.f32 v20, v8;
	v2 =	vmul.f32 v2, v1;
	v41 =	vmul.f32 v11, v1;
	v34 =	vld [tilespmem:s25+$0xA0]  }
0x5c: {  	v21 =	vadd.f32 v21, v22;
	v17 =	vmul.f32 v17, v3;
	v15 =	vmul.f32 v15, v3;
	v35 =	vld [tilespmem:s25+$0x60]  }
0x5d: {  	v10 =	vadd.f32 v19, v10;
	v8 =	vadd.f32 v13, v8;
	v16 =	vmul.f32 v16, v3;
	v36 =	vld [tilespmem:s25+$0x30]  }
0x5e: {  	v12 =	vadd.f32 v17, v12;
	v37 =	vmul.f32 v18, v3;
	v5 =	vadd.f32 v15, v5;
	v38 =	vld [tilespmem:s25+$0x0]  }
0x5f: {  	v10 =	vadd.f32 v14, v10;
	v4 =	vmul.f32 v4, v3;
	v9 =	vadd.f32 v16, v9;
	v40 =	vld [tilespmem:s25+$0x10]  }
0x60: {  	v39 =	vmul.f32 v23, v1;
	v3 =	vadd.f32 v37, v7;
	v42 =	vld [tilespmem:s25+$0x20];
	v5 =	vadd.f32 v41, v5  }
0x61: {  	v43 =	vmul.f32 v24, v1;
	v45 =	vld [tilespmem:s25+$0x40];
	v4 =	vadd.f32 v4, v6;
	v2 =	vadd.f32 v2, v9  }
0x62: {  	v48 =	vld [tilespmem:s25+$0x50];
	v44 =	vadd.f32 v39, v12;
	v46 =	vmul.f32 v28, v25;
	v47 =	vmul.f32 v33, v26  }
0x63: {  	v50 =	vld [tilespmem:s25+$0xB0];
	v0 =	vadd.f32 v0, v3;
	v49 =	vmul.f32 v35, v26;
	v14 =	vmul.f32 v38, v26  }
0x64: {  	v51 =	vld [tilespmem:s25+$0xC0];
	v1 =	vadd.f32 v43, v4;
	v13 =	vmul.f32 v36, v26;
	v6 =	vmul.f32 v40, v26  }
0x65: {  	v52 =	vld [tilespmem:s25+$0xD0];
	v11 =	vmul.f32 v42, v26;
	v53 =	vmul.f32 v27, v25;
	v2 =	vadd.f32 v14, v2  }
0x66: {  	v55 =	vld [tilespmem:s25+$0xF0];
	v19 =	vmul.f32 v34, v25;
	v12 =	vmul.f32 v45, v26;
	v0 =	vadd.f32 v6, v0  }
0x67: {  	s31 =	sshll.u32 s20, $0x7;
	v54 =	vld [tilespmem:s25+$0xE0];
	v56 =	vmul.f32 v48, v26;
	v5 =	vadd.f32 v11, v5;
	v2 =	vadd.f32 v53, v2  }
0x68: {  	s24 =	sand.u32 $0x3FFFFF80, s31;
	v57 =	vmul.f32 v50, v25;
	v9 =	vadd.f32 v13, v44;
	v0 =	vadd.f32 v46, v0  }
0x69: {  	v3 =	vmul.f32 v51, v25;
	v58 =	vadd.f32 v12, v10;
	v5 =	vadd.f32 v19, v5;
	[tilespmem:s24+$0x18580] =	vst v2  }
0x6a: {  	s20 =	sadd.s32 $0x1, s20;
	v59 =	vmul.f32 v52, v25;
	v1 =	vadd.f32 v56, v1;
	v9 =	vadd.f32 v57, v9;
	[tilespmem:s24+$0x18590] =	vst v0  }
0x6b: {  	p0 =	sne.s32 s20, $0x80;
	v61 =	vmul.f32 v55, v25;
	v62 =	vadd.f32 v47, v21;
	v3 =	vadd.f32 v3, v58;
	[tilespmem:s24+$0x185A0] =	vst v5  }
.Ltmp1:
0x6c: {  	v60 =	vmul.f32 v54, v25;
	v4 =	vadd.f32 v49, v8;
	v1 =	vadd.f32 v59, v1;
	[tilespmem:s24+$0x185B0] =	vst v9;
	(pc) =	sbr.rel @p0 .LBB2_3-.Ltmp1, $4  }
0x6d: {  	v63 =	vadd.f32 v61, v62;
	[tilespmem:s24+$0x185C0] =	vst v3  }
0x6e: {  	v0 =	vadd.f32 v60, v4;
	[tilespmem:s24+$0x185D0] =	vst v1  }
0x6f: {  	[tilespmem:s24+$0x185F0] =	vst v63  }
0x70: {  	s21 =	sadd.s32 $0x28, s21;
	s22 =	sadd.s32 $0x28, s22;
	s23 =	sadd.s32 $0x28, s23;
	[tilespmem:s24+$0x185E0] =	vst v0  }
0x71: {  	s18 =	sadd.s32 $0x1, s18  }
0x72: {  	s19 =	sshll.u32 s19, $0x4;
	p0 =	sne.s32 s18, $0x4  }
.Ltmp2:
0x73: {  	s19 =	sadd.s32 s2, s19;
	(pc) =	sbr.rel @p0 .LBB2_2-.Ltmp2, $4  }
0x74: {  	[hbm4b:s19+s4] =	stream.linear.scatter [tilespmem:s15], [sflag:$0x2], $0x4000, $0x38;
	[tilespmem:$0x1C580] =	vst v63  }
0x75: {  	_ =	swait.ge [sflag:s16], $0x4000  }
0x76: {  	[sflag:s16] =	ssyncset.done $0x0  }
0x77: {  	[sflag:s16] =	ssyncadd.s32 $0xFFFFC000  }
0x78: {  	s17 =	sadd.s32 $0x1, s17  }
0x79: {  	p0 =	sne.s32 s17, s11  }
.Ltmp3:
0x7a: {  	_ = 	snop;
	(pc) =	sbr.rel @p0 .LBB2_1-.Ltmp3, $1  }
0x7b: {  	_ =	sdelay $0x3  }
0x7c: {  	_ =	sfence.sel $0x180000  }
0x7d: {  	[bflag:$0x0] =	sbarrier.arrive $0xFFFF  }
0x7e: {  	p0 =	sne.s32 s3, $0x0;
	_ =	strace $0x90000047  }
0x7f: {  	s0 =	sadd.s32 @!p0 $0x100000, s0;
	[bflag:$0x2] =	sbarrier.arrive $0xFFFF  }
0x80: {  	[sflag:s0] =	ssyncadd.tile.s32 @!p0 $0x1;
	_ =	shalt  }
.Lfunc_end2:
_tile_overlayer_lowered:
.L_overlay_start_2:
0x81: {  	(tag) =	ssettag $0x2  }
0x82: {  	s0 =	rddreg [dreg:$0x0];
	s2 =	stileid.u32  }
0x83: {  	s1 =	rddreg [dreg:$0x1];
	p0 =	sne.s32 s2, $0x0  }
0x84: {  	s3 =	rddreg [dreg:$0x2];
	[bflag:$0x3] =	sbarrier.arrive $0xFFFF;
	s2 =	simm.s32 @!p0 $0x1C02  }
0x85: {  	[timem:s3], [sflag:s2] =	dma.local @!p0 [hbm:s0], s1  }
0x86: {  	s0 =	simm.s32 @!p0 $0x2  }
0x87: {  	_ =	swait.ge @!p0 [sflag:s0], s1  }
0x88: {  	s1 =	ssub.s32 @!p0 $0x0, s1;
	[sflag:s0] =	ssyncset.done @!p0 $0x0  }
0x89: {  	[sflag:s0] =	ssyncadd.s32 @!p0 s1  }
0x8a: {  	[bflag:$0x3] =	sbarrier.arrive $0xFFFF  }
0x8b: {  	_ =	shalt  }

</sc_bundles>
